<compile_context>
chip_gen: v7x
topology: tpu7x:2x2x1
jax: 0.10.2.dev20260603
libtpu: 0.0.44.dev20260713+nightly
codegen_flags: <defaults>
</compile_context>

<pallas_src>
import functools

import jax
import jax.numpy as jnp
from jax import lax
from jax.experimental import pallas as pl
from jax.experimental.pallas import tpu as pltpu
from jax.experimental.pallas import tpu_sc as plsc

_N = 4096
_D = 128
_G = 32
_K = 16
_OUT = 64
_NB = 5
_TR = 256
_TCW = 256
_NT = _N // _TCW
_BIG = 3.0e38

_TOTROWS = _NB * _N
_SC_WORKERS = 32


def _sh_body(x_ref, w_ref, b_ref, o_ref):
    o_ref[0] = (
        jnp.dot(x_ref[0], w_ref[0], preferred_element_type=jnp.float32)
        + b_ref[0]
    )


def _sh_call(x5, wsh, bsh):
    return pl.pallas_call(
        _sh_body,
        grid=(_NB,),
        in_specs=[
            pl.BlockSpec((1, _N, _D), lambda b: (b, 0, 0)),
            pl.BlockSpec((1, _D, 4), lambda b: (b, 0, 0)),
            pl.BlockSpec((1, 1, 4), lambda b: (b, 0, 0)),
        ],
        out_specs=pl.BlockSpec((1, _N, 4), lambda b: (b, 0, 0)),
        out_shape=jax.ShapeDtypeStruct((_NB, _N, 4), jnp.float32),
    )(x5, wsh, bsh)


def _gravnet_body(shr_ref, sht_ref, br_ref, bc_ref, x_ref, wo1_ref, wo2_ref,
                  bo2_ref, y_ref, d2_ref):
    shr = shr_ref[0]
    bi = br_ref[0]
    six = shr[:, 0:1]
    siy = shr[:, 1:2]
    siz = shr[:, 2:3]

    bcall = bc_ref[0]
    lo_g = jnp.min(bi)
    hi_g = jnp.max(bi)
    col_lo = jnp.sum((bcall < lo_g).astype(jnp.int32))
    col_hi = jnp.sum((bcall <= hi_g).astype(jnp.int32))
    t0 = col_lo // _TCW
    t1 = (col_hi + _TCW - 1) // _TCW

    def tile_d2(c):
        sjx = sht_ref[0, 0:1, c, :]
        sjy = sht_ref[0, 1:2, c, :]
        sjz = sht_ref[0, 2:3, c, :]
        bj = bc_ref[0, c]
        dx = six - sjx
        dy = siy - sjy
        dz = siz - sjz
        d2 = (dx * dx + dy * dy) + dz * dz
        return jnp.where(bi != bj, jnp.float32(1e10), d2)

    def fast_path(_):
        t0b = jnp.minimum(t0, _NT - 2)
        d0 = tile_d2(t0b)
        d1 = tile_d2(t0b + 1)
        prev = jnp.full((_TR, 1), -_BIG, jnp.float32)
        for _ in range(_K):
            v0 = jnp.min(jnp.where(d0 > prev, d0, _BIG),
                         axis=1, keepdims=True)
            v1 = jnp.min(jnp.where(d1 > prev, d1, _BIG),
                         axis=1, keepdims=True)
            prev = jnp.minimum(v0, v1)
        thr = prev
        sacc = jnp.zeros((_TR, 1), jnp.float32)
        macc = jnp.full((_TR, 1), -_BIG, jnp.float32)
        for c, d in ((t0b, d0), (t0b + 1, d1)):
            hj = sht_ref[0, 3:4, c, :]
            msg = hj * jnp.exp(-10.0 * d)
            sel = d <= thr
            sacc = sacc + jnp.sum(jnp.where(sel, msg, 0.0),
                                  axis=1, keepdims=True)
            macc = jnp.maximum(
                macc,
                jnp.max(jnp.where(sel, msg, -_BIG), axis=1, keepdims=True))
        return sacc, macc

    def slow_path(_):
        def fill_body(c, carry):
            d2_ref[c] = tile_d2(c)
            return carry

        lax.fori_loop(t0, t1, fill_body, 0)

        prev = jnp.full((_TR, 1), -_BIG, jnp.float32)
        for _ in range(_K):
            def kth_body(c, m, lim=prev):
                tile = d2_ref[c]
                vals = jnp.where(tile > lim, tile, _BIG)
                return jnp.minimum(m, jnp.min(vals, axis=1, keepdims=True))
            prev = lax.fori_loop(t0, t1, kth_body,
                                 jnp.full((_TR, 1), _BIG, jnp.float32))
        thr = prev

        def agg_body(c, carry):
            sacc, macc = carry
            tile = d2_ref[c]
            hj = sht_ref[0, 3:4, c, :]
            msg = hj * jnp.exp(-10.0 * tile)
            sel = tile <= thr
            sacc = sacc + jnp.sum(jnp.where(sel, msg, 0.0),
                                  axis=1, keepdims=True)
            macc = jnp.maximum(
                macc,
                jnp.max(jnp.where(sel, msg, -_BIG), axis=1, keepdims=True))
            return sacc, macc

        return lax.fori_loop(
            t0, t1, agg_body,
            (jnp.zeros((_TR, 1), jnp.float32),
             jnp.full((_TR, 1), -_BIG, jnp.float32)))

    sacc, macc = lax.cond(t1 - jnp.minimum(t0, _NT - 2) <= 2,
                          fast_path, slow_path, 0)

    mean = sacc * (1.0 / _K)
    wo2 = wo2_ref[0]
    v = (jnp.dot(x_ref[0], wo1_ref[0], preferred_element_type=jnp.float32)
         + mean * wo2[0:1, :] + macc * wo2[1:2, :] + bo2_ref[0])
    y_ref[0] = v


def _gravnet_call(shr, sht4, br, bc4, x5, wo1, wo2, bo2):
    return pl.pallas_call(
        _gravnet_body,
        grid=(_NB, _N // _TR),
        in_specs=[
            pl.BlockSpec((1, _TR, 4), lambda b, r: (b, r, 0)),
            pl.BlockSpec((1, 4, _NT, _TCW), lambda b, r: (b, 0, 0, 0)),
            pl.BlockSpec((1, _TR, 1), lambda b, r: (b, r, 0)),
            pl.BlockSpec((1, _NT, 1, _TCW), lambda b, r: (b, 0, 0, 0)),
            pl.BlockSpec((1, _TR, _D), lambda b, r: (b, r, 0)),
            pl.BlockSpec((1, _D, _OUT), lambda b, r: (b, 0, 0)),
            pl.BlockSpec((1, 2, _OUT), lambda b, r: (b, 0, 0)),
            pl.BlockSpec((1, 1, _OUT), lambda b, r: (b, 0, 0)),
        ],
        out_specs=pl.BlockSpec((1, _TR, _OUT), lambda b, r: (b, r, 0)),
        out_shape=jax.ShapeDtypeStruct((_NB, _N, _OUT), jnp.float32),
        scratch_shapes=[pltpu.VMEM((_NT, _TR, _TCW), jnp.float32)],
        compiler_params=pltpu.CompilerParams(
            dimension_semantics=("parallel", "arbitrary")),
    )(shr, sht4, br, bc4, x5, wo1, wo2, bo2)


_SC_ROWS = _TOTROWS * _OUT // 128
_RPW_SC = _SC_ROWS // _SC_WORKERS


def _eluw_sc(v2):
    mesh = plsc.VectorSubcoreMesh(core_axis_name="c", subcore_axis_name="s")

    @functools.partial(
        pl.kernel,
        mesh=mesh,
        out_type=jax.ShapeDtypeStruct((_SC_ROWS, 128), jnp.float32),
        scratch_types=[
            pltpu.VMEM((_RPW_SC, 128), jnp.float32),
        ],
    )
    def run(v_hbm, t_hbm, v_v):
        cid = lax.axis_index("c")
        sid = lax.axis_index("s")
        wid = sid * 2 + cid
        base = wid * _RPW_SC
        pltpu.sync_copy(v_hbm.at[pl.ds(base, _RPW_SC)], v_v)

        def body(i, carry):
            for c in range(128 // 16):
                sl = pl.ds(c * 16, 16)
                x = v_v[i, sl]
                v_v[i, sl] = jnp.where(x > 0.0, x, jnp.exp(x) - 1.0)
            return carry

        lax.fori_loop(0, _RPW_SC, body, 0)
        pltpu.sync_copy(v_v, t_hbm.at[pl.ds(base, _RPW_SC)])

    return run(v2)


_TRC = 2048


def _head_body(t_ref, w_ref, oh_ref, b_ref, o_ref):
    r = pl.program_id(0)

    @pl.when(r == 0)
    def _():
        o_ref[...] = jnp.broadcast_to(b_ref[...], (_G, 1))

    z = jnp.dot(t_ref[...], w_ref[0],
                preferred_element_type=jnp.float32)
    contrib = jax.lax.dot_general(
        oh_ref[...], z, (((0,), (0,)), ((), ())),
        preferred_element_type=jnp.float32)
    o_ref[...] = o_ref[...] + contrib


def _head_call(t2, wh, oh, bh):
    return pl.pallas_call(
        _head_body,
        grid=(_TOTROWS // _TRC,),
        in_specs=[
            pl.BlockSpec((_TRC, _OUT), lambda r: (r, 0)),
            pl.BlockSpec((1, _OUT, 1), lambda r: (r // (_N // _TRC), 0, 0)),
            pl.BlockSpec((_TRC, _G), lambda r: (r, 0)),
            pl.BlockSpec((1, 1), lambda r: (0, 0)),
        ],
        out_specs=pl.BlockSpec((_G, 1), lambda r: (0, 0)),
        out_shape=jax.ShapeDtypeStruct((_G, 1), jnp.float32),
    )(t2, wh, oh, bh)


def kernel(x_SiPix, batch_SiPix, x_Crystal, batch_Crystal, x_WSi, batch_WSi,
           x_PbSi, batch_PbSi, x_PbScint, batch_PbScint, params):
    xs = jnp.stack([x_SiPix, x_Crystal, x_WSi, x_PbSi, x_PbScint])
    bs = jnp.stack([batch_SiPix, batch_Crystal, batch_WSi, batch_PbSi,
                    batch_PbScint]).astype(jnp.int32)
    convs = [params['conv1'], params['conv1'], params['conv2'],
             params['conv3'], params['conv4']]
    wsh = jnp.stack([jnp.concatenate([c['Ws'], c['Wh']], axis=1)
                     for c in convs])
    bsh = jnp.stack([jnp.concatenate([c['bs'], c['bh']])[None, :]
                     for c in convs])
    wo1 = jnp.stack([c['Wo1'] for c in convs])
    wo2 = jnp.stack([c['Wo2'] for c in convs])
    bo2 = jnp.stack([c['bo2'][None, :] for c in convs])

    sh = _sh_call(xs, wsh, bsh)
    sht4 = jnp.swapaxes(sh, 1, 2).reshape(_NB, 4, _NT, _TCW)
    br = bs[:, :, None]
    bc4 = bs.reshape(_NB, _NT, 1, _TCW)

    v = _gravnet_call(sh, sht4, br, bc4, xs, wo1, wo2, bo2)

    v2 = v.reshape(_SC_ROWS, 128)
    t2 = _eluw_sc(v2)

    wh = params['out']['W'].reshape(_NB, _OUT, 1)
    oh = (bs.reshape(_TOTROWS)[:, None]
          == jnp.arange(_G, dtype=jnp.int32)[None, :]).astype(jnp.float32)
    bh = params['out']['b'].reshape(1, 1)
    return _head_call(t2.reshape(_TOTROWS, _OUT), wh, oh, bh)

# --- scband reference (transcript-rebuilt; emitter-appended) ---
"""Pipeline reference for scband-net-24850680775388 (READ-ONLY COPY).

The authoritative reference and input builder live on the scoring server;
editing this copy changes nothing except your own understanding.
"""

import jax, jax.numpy as jnp
import numpy as np

N = 4096
D = 128
G = 32
K = 16
S = 3
P = 1
OUT = 64


def _init_conv(key, d_in):
    ks = jax.random.split(key, 4)
    return {
        'Ws': jax.random.normal(ks[0], (d_in, S), dtype=jnp.float32) * (1.0 / np.sqrt(d_in)),
        'bs': jnp.zeros((S,), dtype=jnp.float32),
        'Wh': jax.random.normal(ks[1], (d_in, P), dtype=jnp.float32) * (1.0 / np.sqrt(d_in)),
        'bh': jnp.zeros((P,), dtype=jnp.float32),
        'Wo1': jax.random.normal(ks[2], (d_in, OUT), dtype=jnp.float32) * (1.0 / np.sqrt(d_in)),
        'Wo2': jax.random.normal(ks[3], (2 * P, OUT), dtype=jnp.float32) * (1.0 / np.sqrt(2 * P)),
        'bo2': jnp.zeros((OUT,), dtype=jnp.float32),
    }


def setup_inputs(seed: int = 0):
    key = jax.random.key(seed)
    ks = jax.random.split(key, 16)
    inp = {}
    names = ['SiPix', 'Crystal', 'WSi', 'PbSi', 'PbScint']
    for i, nm in enumerate(names):
        inp['x_' + nm] = jax.random.normal(ks[i], (N, D), dtype=jnp.float32)
        inp['batch_' + nm] = jnp.sort(jax.random.randint(ks[5 + i], (N,), 0, G, dtype=jnp.int32))
    params = {
        'conv1': _init_conv(ks[10], D),
        'conv2': _init_conv(ks[11], D),
        'conv3': _init_conv(ks[12], D),
        'conv4': _init_conv(ks[13], D),
        'out': {
            'W': jax.random.normal(ks[14], (5 * OUT, 1), dtype=jnp.float32) * (1.0 / np.sqrt(5 * OUT)),
            'b': jnp.zeros((1,), dtype=jnp.float32),
        },
    }
    inp['params'] = params
    return inp


def _gravnet(x, batch, p):
    # learned spatial coords and propagate features
    s = x @ p['Ws'] + p['bs']
    h = x @ p['Wh'] + p['bh']
    # batched kNN in learned 3-d space (mask cross-graph pairs)
    d2 = jnp.sum((s[:, None, :] - s[None, :, :]) ** 2, axis=-1)
    d2 = jnp.where(batch[:, None] != batch[None, :], 1e10, d2)
    neg, idx = jax.lax.top_k(-d2, K)
    # gaussian edge weights exp(-10 * d^2)
    w = jnp.exp(10.0 * neg)
    msg = h[idx] * w[..., None]
    agg = jnp.concatenate([jnp.mean(msg, axis=1), jnp.max(msg, axis=1)], axis=-1)
    return x @ p['Wo1'] + agg @ p['Wo2'] + p['bo2']


def _branch(x, batch, p):
    y = jax.nn.elu(_gravnet(x, batch, p))
    return jax.ops.segment_sum(y, batch, num_segments=G)


def reference(x_SiPix, batch_SiPix, x_Crystal, batch_Crystal, x_WSi, batch_WSi, x_PbSi, batch_PbSi, x_PbScint, batch_PbScint, params):
    a = _branch(x_SiPix, batch_SiPix, params['conv1'])
    b = _branch(x_Crystal, batch_Crystal, params['conv1'])
    c = _branch(x_WSi, batch_WSi, params['conv2'])
    d = _branch(x_PbSi, batch_PbSi, params['conv3'])
    e = _branch(x_PbScint, batch_PbScint, params['conv4'])
    cat = jnp.concatenate([a, b, c, d, e], axis=1)
    return cat @ params['out']['W'] + params['out']['b']

if __name__ == "__main__":
    import jax
    _d = setup_inputs()
    print(jax.jit(kernel)(*tuple(_d.values())))

</pallas_src>

<mosaic_0001>
#map = affine_map<(d0, d1) -> (0, 0)>
module attributes {stable_mosaic.version = 14 : i64} {
  func.func @run(%arg0: i32, %arg1: i32, %arg2: memref<10240x128xf32, #tpu.memory_space<hbm>>, %arg3: memref<10240x128xf32, #tpu.memory_space<hbm>>, %arg4: memref<320x128xf32, #tpu.memory_space<vmem>>) attributes {dimension_semantics = [#tpu.dimension_semantics<core_parallel>, #tpu.dimension_semantics<subcore_parallel>], iteration_bounds = array<i64: 2, 16>, scalar_prefetch = 0 : i64, scratch_operands = 1 : i64, tpu.core_type = #tpu.core_type<sc_vector_subcore>, window_params = [{transform_indices = #map}, {transform_indices = #map}]} {
    %mul3A = arith.constant 2 : i32
    %mul3A_0 = arith.muli %arg1, %mul3A : i32
    %add3A = arith.addi %mul3A_0, %arg0 : i32
    %mul3A_1 = arith.constant 320 : i32
    %mul3A_2 = arith.muli %add3A, %mul3A_1 : i32
    "tpu.region"() ({
      %run_scoped3A = tpu.sem_alloc : memref<!tpu.dma_semaphore, #tpu.memory_space<semaphore_mem>>
      %dma_start3A = arith.constant 0 : i32
      %dma_start3A_8 = tpu.memref_slice %arg2[%mul3A_2, %dma_start3A] : memref<10240x128xf32, #tpu.memory_space<hbm>> -> memref<320x128xf32, #tpu.memory_space<hbm>>
      %dma_start3A_9 = arith.constant 0 : i32
      %dma_start3A_10 = tpu.memref_slice %arg2[%mul3A_2, %dma_start3A_9] : memref<10240x128xf32, #tpu.memory_space<hbm>> -> memref<320x128xf32, #tpu.memory_space<hbm>>
      tpu.enqueue_dma source(%dma_start3A_10 : memref<320x128xf32, #tpu.memory_space<hbm>>) target(%arg4 : memref<320x128xf32, #tpu.memory_space<vmem>>) target_semaphore(%run_scoped3A : memref<!tpu.dma_semaphore, #tpu.memory_space<semaphore_mem>>)
      %dma_wait3A = arith.constant 0 : i32
      %dma_wait3A_11 = tpu.memref_slice %arg2[%mul3A_2, %dma_wait3A] : memref<10240x128xf32, #tpu.memory_space<hbm>> -> memref<320x128xf32, #tpu.memory_space<hbm>>
      %dma_wait3A_12 = arith.constant 0 : i32
      %dma_wait3A_13 = tpu.memref_slice %arg2[%mul3A_2, %dma_wait3A_12] : memref<10240x128xf32, #tpu.memory_space<hbm>> -> memref<320x128xf32, #tpu.memory_space<hbm>>
      tpu.wait_dma2 semaphore(%run_scoped3A : memref<!tpu.dma_semaphore, #tpu.memory_space<semaphore_mem>>) src(%dma_wait3A_13 : memref<320x128xf32, #tpu.memory_space<hbm>>) dst(%arg4 : memref<320x128xf32, #tpu.memory_space<vmem>>)
      tpu.yield
    }) : () -> ()
    %scan3A = arith.constant 0 : i32
    %scan3A_3 = arith.constant 0 : i32
    %scan3A_4 = arith.constant 320 : i32
    %scan3A_5 = arith.addi %scan3A_3, %scan3A_4 : i32
    %scan3A_6 = arith.constant 1 : i32
    scf.for %scan3A_8 = %scan3A_3 to %scan3A_5 step %scan3A_6  : i32 {
      %get3A = arith.index_cast %scan3A_8 : i32 to index
      %get3A_9 = arith.constant 0 : index
      %get3A_10 = tpu.vector_load %arg4[%get3A, %get3A_9] {strides = array<i32>} : memref<320x128xf32, #tpu.memory_space<vmem>>, vector<1x16xf32>,
      %get3A_11 = vector.shape_cast %get3A_10 : vector<1x16xf32> to vector<16xf32>
      %gt3A = arith.constant 0.000000e+00 : f32
      %gt3A_12 = vector.broadcast %gt3A : f32 to vector<16xf32>
      %gt3A_13 = arith.cmpf ogt, %get3A_11, %gt3A_12 : vector<16xf32>
      %exp3A = math.exp %get3A_11 : vector<16xf32>
      %sub3A = arith.constant 1.000000e+00 : f32
      %sub3A_14 = vector.broadcast %sub3A : f32 to vector<16xf32>
      %sub3A_15 = arith.subf %exp3A, %sub3A_14 : vector<16xf32>
      %select_n3A = arith.select %gt3A_13, %get3A_11, %sub3A_15 : vector<16xi1>, vector<16xf32>
      %swap3A = arith.index_cast %scan3A_8 : i32 to index
      %swap3A_16 = arith.constant 0 : index
      %swap3A_17 = tpu.vector_load %arg4[%swap3A, %swap3A_16] {strides = array<i32>} : memref<320x128xf32, #tpu.memory_space<vmem>>, vector<1x16xf32>,
      %swap3A_18 = vector.shape_cast %swap3A_17 : vector<1x16xf32> to vector<16xf32>
      %swap3A_19 = vector.shape_cast %select_n3A : vector<16xf32> to vector<1x16xf32>
      tpu.vector_store %arg4[%swap3A, %swap3A_16], %swap3A_19 {strides = array<i32>} : memref<320x128xf32, #tpu.memory_space<vmem>>, vector<1x16xf32>,
      %get3A_20 = arith.index_cast %scan3A_8 : i32 to index
      %get3A_21 = arith.constant 16 : index
      %get3A_22 = tpu.vector_load %arg4[%get3A_20, %get3A_21] {strides = array<i32>} : memref<320x128xf32, #tpu.memory_space<vmem>>, vector<1x16xf32>,
      %get3A_23 = vector.shape_cast %get3A_22 : vector<1x16xf32> to vector<16xf32>
      %gt3A_24 = arith.constant 0.000000e+00 : f32
      %gt3A_25 = vector.broadcast %gt3A_24 : f32 to vector<16xf32>
      %gt3A_26 = arith.cmpf ogt, %get3A_23, %gt3A_25 : vector<16xf32>
      %exp3A_27 = math.exp %get3A_23 : vector<16xf32>
      %sub3A_28 = arith.constant 1.000000e+00 : f32
      %sub3A_29 = vector.broadcast %sub3A_28 : f32 to vector<16xf32>
      %sub3A_30 = arith.subf %exp3A_27, %sub3A_29 : vector<16xf32>
      %select_n3A_31 = arith.select %gt3A_26, %get3A_23, %sub3A_30 : vector<16xi1>, vector<16xf32>
      %swap3A_32 = arith.index_cast %scan3A_8 : i32 to index
      %swap3A_33 = arith.constant 16 : index
      %swap3A_34 = tpu.vector_load %arg4[%swap3A_32, %swap3A_33] {strides = array<i32>} : memref<320x128xf32, #tpu.memory_space<vmem>>, vector<1x16xf32>,
      %swap3A_35 = vector.shape_cast %swap3A_34 : vector<1x16xf32> to vector<16xf32>
      %swap3A_36 = vector.shape_cast %select_n3A_31 : vector<16xf32> to vector<1x16xf32>
      tpu.vector_store %arg4[%swap3A_32, %swap3A_33], %swap3A_36 {strides = array<i32>} : memref<320x128xf32, #tpu.memory_space<vmem>>, vector<1x16xf32>,
      %get3A_37 = arith.index_cast %scan3A_8 : i32 to index
      %get3A_38 = arith.constant 32 : index
      %get3A_39 = tpu.vector_load %arg4[%get3A_37, %get3A_38] {strides = array<i32>} : memref<320x128xf32, #tpu.memory_space<vmem>>, vector<1x16xf32>,
      %get3A_40 = vector.shape_cast %get3A_39 : vector<1x16xf32> to vector<16xf32>
      %gt3A_41 = arith.constant 0.000000e+00 : f32
      %gt3A_42 = vector.broadcast %gt3A_41 : f32 to vector<16xf32>
      %gt3A_43 = arith.cmpf ogt, %get3A_40, %gt3A_42 : vector<16xf32>
      %exp3A_44 = math.exp %get3A_40 : vector<16xf32>
      %sub3A_45 = arith.constant 1.000000e+00 : f32
      %sub3A_46 = vector.broadcast %sub3A_45 : f32 to vector<16xf32>
      %sub3A_47 = arith.subf %exp3A_44, %sub3A_46 : vector<16xf32>
      %select_n3A_48 = arith.select %gt3A_43, %get3A_40, %sub3A_47 : vector<16xi1>, vector<16xf32>
      %swap3A_49 = arith.index_cast %scan3A_8 : i32 to index
      %swap3A_50 = arith.constant 32 : index
      %swap3A_51 = tpu.vector_load %arg4[%swap3A_49, %swap3A_50] {strides = array<i32>} : memref<320x128xf32, #tpu.memory_space<vmem>>, vector<1x16xf32>,
      %swap3A_52 = vector.shape_cast %swap3A_51 : vector<1x16xf32> to vector<16xf32>
      %swap3A_53 = vector.shape_cast %select_n3A_48 : vector<16xf32> to vector<1x16xf32>
      tpu.vector_store %arg4[%swap3A_49, %swap3A_50], %swap3A_53 {strides = array<i32>} : memref<320x128xf32, #tpu.memory_space<vmem>>, vector<1x16xf32>,
      %get3A_54 = arith.index_cast %scan3A_8 : i32 to index
      %get3A_55 = arith.constant 48 : index
      %get3A_56 = tpu.vector_load %arg4[%get3A_54, %get3A_55] {strides = array<i32>} : memref<320x128xf32, #tpu.memory_space<vmem>>, vector<1x16xf32>,
      %get3A_57 = vector.shape_cast %get3A_56 : vector<1x16xf32> to vector<16xf32>
      %gt3A_58 = arith.constant 0.000000e+00 : f32
      %gt3A_59 = vector.broadcast %gt3A_58 : f32 to vector<16xf32>
      %gt3A_60 = arith.cmpf ogt, %get3A_57, %gt3A_59 : vector<16xf32>
      %exp3A_61 = math.exp %get3A_57 : vector<16xf32>
      %sub3A_62 = arith.constant 1.000000e+00 : f32
      %sub3A_63 = vector.broadcast %sub3A_62 : f32 to vector<16xf32>
      %sub3A_64 = arith.subf %exp3A_61, %sub3A_63 : vector<16xf32>
      %select_n3A_65 = arith.select %gt3A_60, %get3A_57, %sub3A_64 : vector<16xi1>, vector<16xf32>
      %swap3A_66 = arith.index_cast %scan3A_8 : i32 to index
      %swap3A_67 = arith.constant 48 : index
      %swap3A_68 = tpu.vector_load %arg4[%swap3A_66, %swap3A_67] {strides = array<i32>} : memref<320x128xf32, #tpu.memory_space<vmem>>, vector<1x16xf32>,
      %swap3A_69 = vector.shape_cast %swap3A_68 : vector<1x16xf32> to vector<16xf32>
      %swap3A_70 = vector.shape_cast %select_n3A_65 : vector<16xf32> to vector<1x16xf32>
      tpu.vector_store %arg4[%swap3A_66, %swap3A_67], %swap3A_70 {strides = array<i32>} : memref<320x128xf32, #tpu.memory_space<vmem>>, vector<1x16xf32>,
      %get3A_71 = arith.index_cast %scan3A_8 : i32 to index
      %get3A_72 = arith.constant 64 : index
      %get3A_73 = tpu.vector_load %arg4[%get3A_71, %get3A_72] {strides = array<i32>} : memref<320x128xf32, #tpu.memory_space<vmem>>, vector<1x16xf32>,
      %get3A_74 = vector.shape_cast %get3A_73 : vector<1x16xf32> to vector<16xf32>
      %gt3A_75 = arith.constant 0.000000e+00 : f32
      %gt3A_76 = vector.broadcast %gt3A_75 : f32 to vector<16xf32>
      %gt3A_77 = arith.cmpf ogt, %get3A_74, %gt3A_76 : vector<16xf32>
      %exp3A_78 = math.exp %get3A_74 : vector<16xf32>
      %sub3A_79 = arith.constant 1.000000e+00 : f32
      %sub3A_80 = vector.broadcast %sub3A_79 : f32 to vector<16xf32>
      %sub3A_81 = arith.subf %exp3A_78, %sub3A_80 : vector<16xf32>
      %select_n3A_82 = arith.select %gt3A_77, %get3A_74, %sub3A_81 : vector<16xi1>, vector<16xf32>
      %swap3A_83 = arith.index_cast %scan3A_8 : i32 to index
      %swap3A_84 = arith.constant 64 : index
      %swap3A_85 = tpu.vector_load %arg4[%swap3A_83, %swap3A_84] {strides = array<i32>} : memref<320x128xf32, #tpu.memory_space<vmem>>, vector<1x16xf32>,
      %swap3A_86 = vector.shape_cast %swap3A_85 : vector<1x16xf32> to vector<16xf32>
      %swap3A_87 = vector.shape_cast %select_n3A_82 : vector<16xf32> to vector<1x16xf32>
      tpu.vector_store %arg4[%swap3A_83, %swap3A_84], %swap3A_87 {strides = array<i32>} : memref<320x128xf32, #tpu.memory_space<vmem>>, vector<1x16xf32>,
      %get3A_88 = arith.index_cast %scan3A_8 : i32 to index
      %get3A_89 = arith.constant 80 : index
      %get3A_90 = tpu.vector_load %arg4[%get3A_88, %get3A_89] {strides = array<i32>} : memref<320x128xf32, #tpu.memory_space<vmem>>, vector<1x16xf32>,
      %get3A_91 = vector.shape_cast %get3A_90 : vector<1x16xf32> to vector<16xf32>
      %gt3A_92 = arith.constant 0.000000e+00 : f32
      %gt3A_93 = vector.broadcast %gt3A_92 : f32 to vector<16xf32>
      %gt3A_94 = arith.cmpf ogt, %get3A_91, %gt3A_93 : vector<16xf32>
      %exp3A_95 = math.exp %get3A_91 : vector<16xf32>
      %sub3A_96 = arith.constant 1.000000e+00 : f32
      %sub3A_97 = vector.broadcast %sub3A_96 : f32 to vector<16xf32>
      %sub3A_98 = arith.subf %exp3A_95, %sub3A_97 : vector<16xf32>
      %select_n3A_99 = arith.select %gt3A_94, %get3A_91, %sub3A_98 : vector<16xi1>, vector<16xf32>
      %swap3A_100 = arith.index_cast %scan3A_8 : i32 to index
      %swap3A_101 = arith.constant 80 : index
      %swap3A_102 = tpu.vector_load %arg4[%swap3A_100, %swap3A_101] {strides = array<i32>} : memref<320x128xf32, #tpu.memory_space<vmem>>, vector<1x16xf32>,
      %swap3A_103 = vector.shape_cast %swap3A_102 : vector<1x16xf32> to vector<16xf32>
      %swap3A_104 = vector.shape_cast %select_n3A_99 : vector<16xf32> to vector<1x16xf32>
      tpu.vector_store %arg4[%swap3A_100, %swap3A_101], %swap3A_104 {strides = array<i32>} : memref<320x128xf32, #tpu.memory_space<vmem>>, vector<1x16xf32>,
      %get3A_105 = arith.index_cast %scan3A_8 : i32 to index
      %get3A_106 = arith.constant 96 : index
      %get3A_107 = tpu.vector_load %arg4[%get3A_105, %get3A_106] {strides = array<i32>} : memref<320x128xf32, #tpu.memory_space<vmem>>, vector<1x16xf32>,
      %get3A_108 = vector.shape_cast %get3A_107 : vector<1x16xf32> to vector<16xf32>
      %gt3A_109 = arith.constant 0.000000e+00 : f32
      %gt3A_110 = vector.broadcast %gt3A_109 : f32 to vector<16xf32>
      %gt3A_111 = arith.cmpf ogt, %get3A_108, %gt3A_110 : vector<16xf32>
      %exp3A_112 = math.exp %get3A_108 : vector<16xf32>
      %sub3A_113 = arith.constant 1.000000e+00 : f32
      %sub3A_114 = vector.broadcast %sub3A_113 : f32 to vector<16xf32>
      %sub3A_115 = arith.subf %exp3A_112, %sub3A_114 : vector<16xf32>
      %select_n3A_116 = arith.select %gt3A_111, %get3A_108, %sub3A_115 : vector<16xi1>, vector<16xf32>
      %swap3A_117 = arith.index_cast %scan3A_8 : i32 to index
      %swap3A_118 = arith.constant 96 : index
      %swap3A_119 = tpu.vector_load %arg4[%swap3A_117, %swap3A_118] {strides = array<i32>} : memref<320x128xf32, #tpu.memory_space<vmem>>, vector<1x16xf32>,
      %swap3A_120 = vector.shape_cast %swap3A_119 : vector<1x16xf32> to vector<16xf32>
      %swap3A_121 = vector.shape_cast %select_n3A_116 : vector<16xf32> to vector<1x16xf32>
      tpu.vector_store %arg4[%swap3A_117, %swap3A_118], %swap3A_121 {strides = array<i32>} : memref<320x128xf32, #tpu.memory_space<vmem>>, vector<1x16xf32>,
      %get3A_122 = arith.index_cast %scan3A_8 : i32 to index
      %get3A_123 = arith.constant 112 : index
      %get3A_124 = tpu.vector_load %arg4[%get3A_122, %get3A_123] {strides = array<i32>} : memref<320x128xf32, #tpu.memory_space<vmem>>, vector<1x16xf32>,
      %get3A_125 = vector.shape_cast %get3A_124 : vector<1x16xf32> to vector<16xf32>
      %gt3A_126 = arith.constant 0.000000e+00 : f32
      %gt3A_127 = vector.broadcast %gt3A_126 : f32 to vector<16xf32>
      %gt3A_128 = arith.cmpf ogt, %get3A_125, %gt3A_127 : vector<16xf32>
      %exp3A_129 = math.exp %get3A_125 : vector<16xf32>
      %sub3A_130 = arith.constant 1.000000e+00 : f32
      %sub3A_131 = vector.broadcast %sub3A_130 : f32 to vector<16xf32>
      %sub3A_132 = arith.subf %exp3A_129, %sub3A_131 : vector<16xf32>
      %select_n3A_133 = arith.select %gt3A_128, %get3A_125, %sub3A_132 : vector<16xi1>, vector<16xf32>
      %swap3A_134 = arith.index_cast %scan3A_8 : i32 to index
      %swap3A_135 = arith.constant 112 : index
      %swap3A_136 = tpu.vector_load %arg4[%swap3A_134, %swap3A_135] {strides = array<i32>} : memref<320x128xf32, #tpu.memory_space<vmem>>, vector<1x16xf32>,
      %swap3A_137 = vector.shape_cast %swap3A_136 : vector<1x16xf32> to vector<16xf32>
      %swap3A_138 = vector.shape_cast %select_n3A_133 : vector<16xf32> to vector<1x16xf32>
      tpu.vector_store %arg4[%swap3A_134, %swap3A_135], %swap3A_138 {strides = array<i32>} : memref<320x128xf32, #tpu.memory_space<vmem>>, vector<1x16xf32>,
    }
    %scan3A_7 = arith.constant 320 : i32
    "tpu.region"() ({
      %run_scoped3A = tpu.sem_alloc : memref<!tpu.dma_semaphore, #tpu.memory_space<semaphore_mem>>
      %dma_start3A = arith.constant 0 : i32
      %dma_start3A_8 = tpu.memref_slice %arg3[%mul3A_2, %dma_start3A] : memref<10240x128xf32, #tpu.memory_space<hbm>> -> memref<320x128xf32, #tpu.memory_space<hbm>>
      %dma_start3A_9 = arith.constant 0 : i32
      %dma_start3A_10 = tpu.memref_slice %arg3[%mul3A_2, %dma_start3A_9] : memref<10240x128xf32, #tpu.memory_space<hbm>> -> memref<320x128xf32, #tpu.memory_space<hbm>>
      tpu.enqueue_dma source(%arg4 : memref<320x128xf32, #tpu.memory_space<vmem>>) target(%dma_start3A_10 : memref<320x128xf32, #tpu.memory_space<hbm>>) target_semaphore(%run_scoped3A : memref<!tpu.dma_semaphore, #tpu.memory_space<semaphore_mem>>)
      %dma_wait3A = arith.constant 0 : i32
      %dma_wait3A_11 = tpu.memref_slice %arg3[%mul3A_2, %dma_wait3A] : memref<10240x128xf32, #tpu.memory_space<hbm>> -> memref<320x128xf32, #tpu.memory_space<hbm>>
      %dma_wait3A_12 = arith.constant 0 : i32
      %dma_wait3A_13 = tpu.memref_slice %arg3[%mul3A_2, %dma_wait3A_12] : memref<10240x128xf32, #tpu.memory_space<hbm>> -> memref<320x128xf32, #tpu.memory_space<hbm>>
      tpu.wait_dma2 semaphore(%run_scoped3A : memref<!tpu.dma_semaphore, #tpu.memory_space<semaphore_mem>>) src(%arg4 : memref<320x128xf32, #tpu.memory_space<vmem>>) dst(%dma_wait3A_13 : memref<320x128xf32, #tpu.memory_space<hbm>>)
      tpu.yield
    }) : () -> ()
    return
  }
}

module attributes {stable_mosaic.version = 14 : i64} {
  func.func @_sh_body(%arg0: i32, %arg1: memref<1x4096x128xf32, #tpu.memory_space<vmem>>, %arg2: memref<1x128x4xf32, #tpu.memory_space<vmem>>, %arg3: memref<1x1x4xf32, #tpu.memory_space<vmem>>, %arg4: memref<1x4096x4xf32, #tpu.memory_space<vmem>>) attributes {dimension_semantics = [#tpu.dimension_semantics<arbitrary>], iteration_bounds = array<i64: 5>, scalar_prefetch = 0 : i64, scratch_operands = 0 : i64, tpu.core_type = #tpu.core_type<tc>, window_params = [{transform_indices = @transform_0, window_bounds = array<i64: 1, 4096, 128>}, {transform_indices = @transform_1, window_bounds = array<i64: 1, 128, 4>}, {transform_indices = @transform_2, window_bounds = array<i64: 1, 1, 4>}, {transform_indices = @transform_3, window_bounds = array<i64: 1, 4096, 4>}]} {
    %get3A = arith.constant 0 : index
    %get3A_0 = arith.constant 0 : index
    %get3A_1 = arith.constant 0 : index
    %get3A_2 = vector.load %arg1[%get3A, %get3A_0, %get3A_1] : memref<1x4096x128xf32, #tpu.memory_space<vmem>>, vector<1x4096x128xf32>
    %get3A_3 = vector.shape_cast %get3A_2 : vector<1x4096x128xf32> to vector<4096x128xf32>
    %get3A_4 = arith.constant 0 : index
    %get3A_5 = arith.constant 0 : index
    %get3A_6 = arith.constant 0 : index
    %get3A_7 = vector.load %arg2[%get3A_4, %get3A_5, %get3A_6] : memref<1x128x4xf32, #tpu.memory_space<vmem>>, vector<1x128x4xf32>
    %get3A_8 = vector.shape_cast %get3A_7 : vector<1x128x4xf32> to vector<128x4xf32>
    %dot_general3A = arith.constant dense<0.000000e+00> : vector<4096x4xf32>
    %dot_general3A_9 = tpu.matmul %get3A_3, %get3A_8, %dot_general3A {dimension_numbers = #tpu.dot_dimension_numbers<[1], [0], [0], [1], [0, 0, 1, 1], [], []>, transpose_lhs_hint = false} : vector<4096x128xf32>, vector<128x4xf32>, vector<4096x4xf32> -> vector<4096x4xf32>
    %get3A_10 = arith.constant 0 : index
    %get3A_11 = arith.constant 0 : index
    %get3A_12 = arith.constant 0 : index
    %get3A_13 = vector.load %arg3[%get3A_10, %get3A_11, %get3A_12] : memref<1x1x4xf32, #tpu.memory_space<vmem>>, vector<1x1x4xf32>
    %get3A_14 = vector.shape_cast %get3A_13 : vector<1x1x4xf32> to vector<1x4xf32>
    %add3A = vector.broadcast %get3A_14 : vector<1x4xf32> to vector<4096x4xf32>
    %add3A_15 = arith.addf %dot_general3A_9, %add3A : vector<4096x4xf32>
    %swap3A = arith.constant 0 : index
    %swap3A_16 = arith.constant 0 : index
    %swap3A_17 = arith.constant 0 : index
    %swap3A_18 = vector.load %arg4[%swap3A, %swap3A_16, %swap3A_17] : memref<1x4096x4xf32, #tpu.memory_space<vmem>>, vector<1x4096x4xf32>
    %swap3A_19 = vector.shape_cast %swap3A_18 : vector<1x4096x4xf32> to vector<4096x4xf32>
    %swap3A_20 = vector.shape_cast %add3A_15 : vector<4096x4xf32> to vector<1x4096x4xf32>
    tpu.vector_store %arg4[%swap3A, %swap3A_16, %swap3A_17], %swap3A_20 {strides = array<i32>} : memref<1x4096x4xf32, #tpu.memory_space<vmem>>, vector<1x4096x4xf32>,
    return
  }
  func.func @transform_0(%arg0: i32) -> (i32, i32, i32) {
    %c0_i32 = arith.constant 0 : i32
    %c0_i32_0 = arith.constant 0 : i32
    %c0_i32_1 = arith.constant 0 : i32
    return %arg0, %c0_i32, %c0_i32_0 : i32, i32, i32
  }
  func.func @transform_1(%arg0: i32) -> (i32, i32, i32) {
    %c0_i32 = arith.constant 0 : i32
    %c0_i32_0 = arith.constant 0 : i32
    %c0_i32_1 = arith.constant 0 : i32
    return %arg0, %c0_i32, %c0_i32_0 : i32, i32, i32
  }
  func.func @transform_2(%arg0: i32) -> (i32, i32, i32) {
    %c0_i32 = arith.constant 0 : i32
    %c0_i32_0 = arith.constant 0 : i32
    %c0_i32_1 = arith.constant 0 : i32
    return %arg0, %c0_i32, %c0_i32_0 : i32, i32, i32
  }
  func.func @transform_3(%arg0: i32) -> (i32, i32, i32) {
    %c0_i32 = arith.constant 0 : i32
    %c0_i32_0 = arith.constant 0 : i32
    %c0_i32_1 = arith.constant 0 : i32
    return %arg0, %c0_i32, %c0_i32_0 : i32, i32, i32
  }
}

module attributes {stable_mosaic.version = 14 : i64} {
  func.func @_gravnet_body(%arg0: i32, %arg1: i32, %arg2: memref<1x256x4xf32, #tpu.memory_space<vmem>>, %arg3: memref<1x4x16x256xf32, #tpu.memory_space<vmem>>, %arg4: memref<1x256x1xi32, #tpu.memory_space<vmem>>, %arg5: memref<1x16x1x256xi32, #tpu.memory_space<vmem>>, %arg6: memref<1x256x128xf32, #tpu.memory_space<vmem>>, %arg7: memref<1x128x64xf32, #tpu.memory_space<vmem>>, %arg8: memref<1x2x64xf32, #tpu.memory_space<vmem>>, %arg9: memref<1x1x64xf32, #tpu.memory_space<vmem>>, %arg10: memref<1x256x64xf32, #tpu.memory_space<vmem>>, %arg11: memref<16x256x256xf32, #tpu.memory_space<vmem>>) attributes {dimension_semantics = [#tpu.dimension_semantics<parallel>, #tpu.dimension_semantics<arbitrary>], iteration_bounds = array<i64: 5, 16>, scalar_prefetch = 0 : i64, scratch_operands = 1 : i64, tpu.core_type = #tpu.core_type<tc>, window_params = [{transform_indices = @transform_0, window_bounds = array<i64: 1, 256, 4>}, {transform_indices = @transform_1, window_bounds = array<i64: 1, 4, 16, 256>}, {transform_indices = @transform_2, window_bounds = array<i64: 1, 256, 1>}, {transform_indices = @transform_3, window_bounds = array<i64: 1, 16, 1, 256>}, {transform_indices = @transform_4, window_bounds = array<i64: 1, 256, 128>}, {transform_indices = @transform_5, window_bounds = array<i64: 1, 128, 64>}, {transform_indices = @transform_6, window_bounds = array<i64: 1, 2, 64>}, {transform_indices = @transform_7, window_bounds = array<i64: 1, 1, 64>}, {transform_indices = @transform_8, window_bounds = array<i64: 1, 256, 64>}]} {
    %get3A = arith.constant 0 : index
    %get3A_0 = arith.constant 0 : index
    %get3A_1 = arith.constant 0 : index
    %get3A_2 = vector.load %arg2[%get3A, %get3A_0, %get3A_1] : memref<1x256x4xf32, #tpu.memory_space<vmem>>, vector<1x256x4xf32>
    %get3A_3 = vector.shape_cast %get3A_2 : vector<1x256x4xf32> to vector<256x4xf32>
    %get3A_4 = arith.constant 0 : index
    %get3A_5 = arith.constant 0 : index
    %get3A_6 = arith.constant 0 : index
    %get3A_7 = vector.load %arg4[%get3A_4, %get3A_5, %get3A_6] : memref<1x256x1xi32, #tpu.memory_space<vmem>>, vector<1x256x1xi32>
    %get3A_8 = vector.shape_cast %get3A_7 : vector<1x256x1xi32> to vector<256x1xi32>
    %slice3A = vector.extract_strided_slice %get3A_3 {offsets = [0, 0], sizes = [256, 1], strides = [1, 1]} : vector<256x4xf32> to vector<256x1xf32>
    %slice3A_9 = vector.extract_strided_slice %get3A_3 {offsets = [0, 1], sizes = [256, 1], strides = [1, 1]} : vector<256x4xf32> to vector<256x1xf32>
    %slice3A_10 = vector.extract_strided_slice %get3A_3 {offsets = [0, 2], sizes = [256, 1], strides = [1, 1]} : vector<256x4xf32> to vector<256x1xf32>
    %get3A_11 = arith.constant 0 : index
    %get3A_12 = arith.constant 0 : index
    %get3A_13 = arith.constant 0 : index
    %get3A_14 = arith.constant 0 : index
    %get3A_15 = vector.load %arg5[%get3A_11, %get3A_12, %get3A_13, %get3A_14] : memref<1x16x1x256xi32, #tpu.memory_space<vmem>>, vector<1x16x1x256xi32>
    %get3A_16 = vector.shape_cast %get3A_15 : vector<1x16x1x256xi32> to vector<16x1x256xi32>
    %reduce_min3A = vector.shape_cast %get3A_8 : vector<256x1xi32> to vector<1x256x1xi32>
    %reduce_min3A_17 = arith.constant dense<2147483647> : vector<1xi32>
    %reduce_min3A_18 = vector.multi_reduction <minsi>, %reduce_min3A, %reduce_min3A_17 [1, 2] : vector<1x256x1xi32> to vector<1xi32>
    %reduce_min3A_19 = vector.shape_cast %reduce_min3A_18 : vector<1xi32> to vector<1x1x1xi32>
    %reduce_min3A_20 = vector.extract %reduce_min3A_19[0, 0, 0] : i32 from vector<1x1x1xi32>
    %reduce_max3A = vector.shape_cast %get3A_8 : vector<256x1xi32> to vector<1x256x1xi32>
    %reduce_max3A_21 = arith.constant dense<-2147483648> : vector<1xi32>
    %reduce_max3A_22 = vector.multi_reduction <maxsi>, %reduce_max3A, %reduce_max3A_21 [1, 2] : vector<1x256x1xi32> to vector<1xi32>
    %reduce_max3A_23 = vector.shape_cast %reduce_max3A_22 : vector<1xi32> to vector<1x1x1xi32>
    %reduce_max3A_24 = vector.extract %reduce_max3A_23[0, 0, 0] : i32 from vector<1x1x1xi32>
    %lt3A = vector.broadcast %reduce_min3A_20 : i32 to vector<16x1x256xi32>
    %lt3A_25 = arith.cmpi slt, %get3A_16, %lt3A : vector<16x1x256xi32>
    %convert_element_type3A = arith.extui %lt3A_25 : vector<16x1x256xi1> to vector<16x1x256xi32>
    %reduce_sum3A = vector.shape_cast %convert_element_type3A : vector<16x1x256xi32> to vector<1x16x1x256xi32>
    %reduce_sum3A_26 = arith.constant dense<0> : vector<1xi32>
    %reduce_sum3A_27 = vector.multi_reduction <add>, %reduce_sum3A, %reduce_sum3A_26 [1, 2, 3] : vector<1x16x1x256xi32> to vector<1xi32>
    %reduce_sum3A_28 = vector.shape_cast %reduce_sum3A_27 : vector<1xi32> to vector<1x1x1x1xi32>
    %reduce_sum3A_29 = vector.extract %reduce_sum3A_28[0, 0, 0, 0] : i32 from vector<1x1x1x1xi32>
    %le3A = vector.broadcast %reduce_max3A_24 : i32 to vector<16x1x256xi32>
    %le3A_30 = arith.cmpi sle, %get3A_16, %le3A : vector<16x1x256xi32>
    %convert_element_type3A_31 = arith.extui %le3A_30 : vector<16x1x256xi1> to vector<16x1x256xi32>
    %reduce_sum3A_32 = vector.shape_cast %convert_element_type3A_31 : vector<16x1x256xi32> to vector<1x16x1x256xi32>
    %reduce_sum3A_33 = arith.constant dense<0> : vector<1xi32>
    %reduce_sum3A_34 = vector.multi_reduction <add>, %reduce_sum3A_32, %reduce_sum3A_33 [1, 2, 3] : vector<1x16x1x256xi32> to vector<1xi32>
    %reduce_sum3A_35 = vector.shape_cast %reduce_sum3A_34 : vector<1xi32> to vector<1x1x1x1xi32>
    %reduce_sum3A_36 = vector.extract %reduce_sum3A_35[0, 0, 0, 0] : i32 from vector<1x1x1x1xi32>
    %jit3A = arith.constant 256 : i32
    %div3A = arith.divsi %reduce_sum3A_29, %jit3A : i32
    %sign3A = arith.constant 0 : i32
    %sign3A_37 = arith.cmpi sgt, %reduce_sum3A_29, %sign3A : i32
    %sign3A_38 = arith.extui %sign3A_37 : i1 to i32
    %sign3A_39 = arith.constant 0 : i32
    %sign3A_40 = arith.cmpi slt, %reduce_sum3A_29, %sign3A_39 : i32
    %sign3A_41 = arith.extui %sign3A_40 : i1 to i32
    %sign3A_42 = arith.subi %sign3A_38, %sign3A_41 : i32
    %sign3A_43 = arith.constant 0 : i32
    %sign3A_44 = arith.cmpi sgt, %jit3A, %sign3A_43 : i32
    %sign3A_45 = arith.extui %sign3A_44 : i1 to i32
    %sign3A_46 = arith.constant 0 : i32
    %sign3A_47 = arith.cmpi slt, %jit3A, %sign3A_46 : i32
    %sign3A_48 = arith.extui %sign3A_47 : i1 to i32
    %sign3A_49 = arith.subi %sign3A_45, %sign3A_48 : i32
    %ne3A = arith.cmpi ne, %sign3A_42, %sign3A_49 : i32
    %rem3A = arith.remsi %reduce_sum3A_29, %jit3A : i32
    %ne3A_50 = arith.constant 0 : i32
    %ne3A_51 = arith.cmpi ne, %rem3A, %ne3A_50 : i32
    %and3A = arith.andi %ne3A, %ne3A_51 : i1
    %sub3A = arith.constant 1 : i32
    %sub3A_52 = arith.subi %div3A, %sub3A : i32
    %select_n3A = arith.select %and3A, %sub3A_52, %div3A : i32
    %add3A = arith.constant 256 : i32
    %add3A_53 = arith.addi %reduce_sum3A_36, %add3A : i32
    %sub3A_54 = arith.constant 1 : i32
    %sub3A_55 = arith.subi %add3A_53, %sub3A_54 : i32
    %jit3A_56 = arith.constant 256 : i32
    %div3A_57 = arith.divsi %sub3A_55, %jit3A_56 : i32
    %sign3A_58 = arith.constant 0 : i32
    %sign3A_59 = arith.cmpi sgt, %sub3A_55, %sign3A_58 : i32
    %sign3A_60 = arith.extui %sign3A_59 : i1 to i32
    %sign3A_61 = arith.constant 0 : i32
    %sign3A_62 = arith.cmpi slt, %sub3A_55, %sign3A_61 : i32
    %sign3A_63 = arith.extui %sign3A_62 : i1 to i32
    %sign3A_64 = arith.subi %sign3A_60, %sign3A_63 : i32
    %sign3A_65 = arith.constant 0 : i32
    %sign3A_66 = arith.cmpi sgt, %jit3A_56, %sign3A_65 : i32
    %sign3A_67 = arith.extui %sign3A_66 : i1 to i32
    %sign3A_68 = arith.constant 0 : i32
    %sign3A_69 = arith.cmpi slt, %jit3A_56, %sign3A_68 : i32
    %sign3A_70 = arith.extui %sign3A_69 : i1 to i32
    %sign3A_71 = arith.subi %sign3A_67, %sign3A_70 : i32
    %ne3A_72 = arith.cmpi ne, %sign3A_64, %sign3A_71 : i32
    %rem3A_73 = arith.remsi %sub3A_55, %jit3A_56 : i32
    %ne3A_74 = arith.constant 0 : i32
    %ne3A_75 = arith.cmpi ne, %rem3A_73, %ne3A_74 : i32
    %and3A_76 = arith.andi %ne3A_72, %ne3A_75 : i1
    %sub3A_77 = arith.constant 1 : i32
    %sub3A_78 = arith.subi %div3A_57, %sub3A_77 : i32
    %select_n3A_79 = arith.select %and3A_76, %sub3A_78, %div3A_57 : i32
    %min3A = arith.constant 14 : i32
    %min3A_80 = arith.minsi %select_n3A, %min3A : i32
    %sub3A_81 = arith.subi %select_n3A_79, %min3A_80 : i32
    %le3A_82 = arith.constant 2 : i32
    %le3A_83 = arith.cmpi sle, %sub3A_81, %le3A_82 : i32
    %convert_element_type3A_84 = arith.extui %le3A_83 : i1 to i32
    %cond3A = arith.constant 0 : i32
    %cond3A_85 = arith.cmpi ne, %convert_element_type3A_84, %cond3A : i32
    %cond3A_86:2 = scf.if %cond3A_85 -> (vector<256x1xf32>, vector<256x1xf32>) {
      %min3A_127 = arith.constant 14 : i32
      %min3A_128 = arith.minsi %select_n3A, %min3A_127 : i32
      %get3A_129 = arith.constant 0 : index
      %get3A_130 = arith.constant 0 : index
      %get3A_131 = arith.index_cast %min3A_128 : i32 to index
      %get3A_132 = arith.constant 0 : index
      %get3A_133 = vector.load %arg3[%get3A_129, %get3A_130, %get3A_131, %get3A_132] : memref<1x4x16x256xf32, #tpu.memory_space<vmem>>, vector<1x1x1x256xf32>
      %get3A_134 = vector.shape_cast %get3A_133 : vector<1x1x1x256xf32> to vector<1x256xf32>
      %get3A_135 = arith.constant 0 : index
      %get3A_136 = arith.constant 1 : index
      %get3A_137 = arith.index_cast %min3A_128 : i32 to index
      %get3A_138 = arith.constant 0 : index
      %get3A_139 = vector.load %arg3[%get3A_135, %get3A_136, %get3A_137, %get3A_138] : memref<1x4x16x256xf32, #tpu.memory_space<vmem>>, vector<1x1x1x256xf32>
      %get3A_140 = vector.shape_cast %get3A_139 : vector<1x1x1x256xf32> to vector<1x256xf32>
      %get3A_141 = arith.constant 0 : index
      %get3A_142 = arith.constant 2 : index
      %get3A_143 = arith.index_cast %min3A_128 : i32 to index
      %get3A_144 = arith.constant 0 : index
      %get3A_145 = vector.load %arg3[%get3A_141, %get3A_142, %get3A_143, %get3A_144] : memref<1x4x16x256xf32, #tpu.memory_space<vmem>>, vector<1x1x1x256xf32>
      %get3A_146 = vector.shape_cast %get3A_145 : vector<1x1x1x256xf32> to vector<1x256xf32>
      %get3A_147 = arith.constant 0 : index
      %get3A_148 = arith.index_cast %min3A_128 : i32 to index
      %get3A_149 = arith.constant 0 : index
      %get3A_150 = arith.constant 0 : index
      %get3A_151 = vector.load %arg5[%get3A_147, %get3A_148, %get3A_149, %get3A_150] : memref<1x16x1x256xi32, #tpu.memory_space<vmem>>, vector<1x1x1x256xi32>
      %get3A_152 = vector.shape_cast %get3A_151 : vector<1x1x1x256xi32> to vector<1x256xi32>
      %sub3A_153 = vector.broadcast %slice3A : vector<256x1xf32> to vector<256x256xf32>
      %sub3A_154 = vector.broadcast %get3A_134 : vector<1x256xf32> to vector<256x256xf32>
      %sub3A_155 = arith.subf %sub3A_153, %sub3A_154 : vector<256x256xf32>
      %sub3A_156 = vector.broadcast %slice3A_9 : vector<256x1xf32> to vector<256x256xf32>
      %sub3A_157 = vector.broadcast %get3A_140 : vector<1x256xf32> to vector<256x256xf32>
      %sub3A_158 = arith.subf %sub3A_156, %sub3A_157 : vector<256x256xf32>
      %sub3A_159 = vector.broadcast %slice3A_10 : vector<256x1xf32> to vector<256x256xf32>
      %sub3A_160 = vector.broadcast %get3A_146 : vector<1x256xf32> to vector<256x256xf32>
      %sub3A_161 = arith.subf %sub3A_159, %sub3A_160 : vector<256x256xf32>
      %mul3A_162 = arith.mulf %sub3A_155, %sub3A_155 : vector<256x256xf32>
      %mul3A_163 = arith.mulf %sub3A_158, %sub3A_158 : vector<256x256xf32>
      %add3A_164 = arith.addf %mul3A_162, %mul3A_163 : vector<256x256xf32>
      %mul3A_165 = arith.mulf %sub3A_161, %sub3A_161 : vector<256x256xf32>
      %add3A_166 = arith.addf %add3A_164, %mul3A_165 : vector<256x256xf32>
      %ne3A_167 = vector.broadcast %get3A_8 : vector<256x1xi32> to vector<256x256xi32>
      %ne3A_168 = vector.broadcast %get3A_152 : vector<1x256xi32> to vector<256x256xi32>
      %ne3A_169 = arith.cmpi ne, %ne3A_167, %ne3A_168 : vector<256x256xi32>
      %jit3A_170 = arith.constant 1.000000e+10 : f32
      %broadcast_in_dim3A = vector.broadcast %jit3A_170 : f32 to vector<256x256xf32>
      %select_n3A_171 = arith.select %ne3A_169, %broadcast_in_dim3A, %add3A_166 : vector<256x256xi1>, vector<256x256xf32>
      %add3A_172 = arith.constant 1 : i32
      %add3A_173 = arith.addi %min3A_128, %add3A_172 : i32
      %get3A_174 = arith.constant 0 : index
      %get3A_175 = arith.constant 0 : index
      %get3A_176 = arith.index_cast %add3A_173 : i32 to index
      %get3A_177 = arith.constant 0 : index
      %get3A_178 = vector.load %arg3[%get3A_174, %get3A_175, %get3A_176, %get3A_177] : memref<1x4x16x256xf32, #tpu.memory_space<vmem>>, vector<1x1x1x256xf32>
      %get3A_179 = vector.shape_cast %get3A_178 : vector<1x1x1x256xf32> to vector<1x256xf32>
      %get3A_180 = arith.constant 0 : index
      %get3A_181 = arith.constant 1 : index
      %get3A_182 = arith.index_cast %add3A_173 : i32 to index
      %get3A_183 = arith.constant 0 : index
      %get3A_184 = vector.load %arg3[%get3A_180, %get3A_181, %get3A_182, %get3A_183] : memref<1x4x16x256xf32, #tpu.memory_space<vmem>>, vector<1x1x1x256xf32>
      %get3A_185 = vector.shape_cast %get3A_184 : vector<1x1x1x256xf32> to vector<1x256xf32>
      %get3A_186 = arith.constant 0 : index
      %get3A_187 = arith.constant 2 : index
      %get3A_188 = arith.index_cast %add3A_173 : i32 to index
      %get3A_189 = arith.constant 0 : index
      %get3A_190 = vector.load %arg3[%get3A_186, %get3A_187, %get3A_188, %get3A_189] : memref<1x4x16x256xf32, #tpu.memory_space<vmem>>, vector<1x1x1x256xf32>
      %get3A_191 = vector.shape_cast %get3A_190 : vector<1x1x1x256xf32> to vector<1x256xf32>
      %get3A_192 = arith.constant 0 : index
      %get3A_193 = arith.index_cast %add3A_173 : i32 to index
      %get3A_194 = arith.constant 0 : index
      %get3A_195 = arith.constant 0 : index
      %get3A_196 = vector.load %arg5[%get3A_192, %get3A_193, %get3A_194, %get3A_195] : memref<1x16x1x256xi32, #tpu.memory_space<vmem>>, vector<1x1x1x256xi32>
      %get3A_197 = vector.shape_cast %get3A_196 : vector<1x1x1x256xi32> to vector<1x256xi32>
      %sub3A_198 = vector.broadcast %slice3A : vector<256x1xf32> to vector<256x256xf32>
      %sub3A_199 = vector.broadcast %get3A_179 : vector<1x256xf32> to vector<256x256xf32>
      %sub3A_200 = arith.subf %sub3A_198, %sub3A_199 : vector<256x256xf32>
      %sub3A_201 = vector.broadcast %slice3A_9 : vector<256x1xf32> to vector<256x256xf32>
      %sub3A_202 = vector.broadcast %get3A_185 : vector<1x256xf32> to vector<256x256xf32>
      %sub3A_203 = arith.subf %sub3A_201, %sub3A_202 : vector<256x256xf32>
      %sub3A_204 = vector.broadcast %slice3A_10 : vector<256x1xf32> to vector<256x256xf32>
      %sub3A_205 = vector.broadcast %get3A_191 : vector<1x256xf32> to vector<256x256xf32>
      %sub3A_206 = arith.subf %sub3A_204, %sub3A_205 : vector<256x256xf32>
      %mul3A_207 = arith.mulf %sub3A_200, %sub3A_200 : vector<256x256xf32>
      %mul3A_208 = arith.mulf %sub3A_203, %sub3A_203 : vector<256x256xf32>
      %add3A_209 = arith.addf %mul3A_207, %mul3A_208 : vector<256x256xf32>
      %mul3A_210 = arith.mulf %sub3A_206, %sub3A_206 : vector<256x256xf32>
      %add3A_211 = arith.addf %add3A_209, %mul3A_210 : vector<256x256xf32>
      %ne3A_212 = vector.broadcast %get3A_8 : vector<256x1xi32> to vector<256x256xi32>
      %ne3A_213 = vector.broadcast %get3A_197 : vector<1x256xi32> to vector<256x256xi32>
      %ne3A_214 = arith.cmpi ne, %ne3A_212, %ne3A_213 : vector<256x256xi32>
      %jit3A_215 = arith.constant 1.000000e+10 : f32
      %broadcast_in_dim3A_216 = vector.broadcast %jit3A_215 : f32 to vector<256x256xf32>
      %select_n3A_217 = arith.select %ne3A_214, %broadcast_in_dim3A_216, %add3A_211 : vector<256x256xi1>, vector<256x256xf32>
      %broadcast_in_dim3A_218 = arith.constant -3.000000e+38 : f32
      %broadcast_in_dim3A_219 = vector.broadcast %broadcast_in_dim3A_218 : f32 to vector<256x1xf32>
      %gt3A = vector.broadcast %broadcast_in_dim3A_219 : vector<256x1xf32> to vector<256x256xf32>
      %gt3A_220 = arith.cmpf ogt, %select_n3A_171, %gt3A : vector<256x256xf32>
      %jit3A_221 = arith.constant 3.000000e+38 : f32
      %broadcast_in_dim3A_222 = vector.broadcast %jit3A_221 : f32 to vector<256x256xf32>
      %select_n3A_223 = arith.select %gt3A_220, %select_n3A_171, %broadcast_in_dim3A_222 : vector<256x256xi1>, vector<256x256xf32>
      %reduce_min3A_224 = arith.constant dense<0x7F800000> : vector<256xf32>
      %reduce_min3A_225 = vector.multi_reduction <minimumf>, %select_n3A_223, %reduce_min3A_224 [1] : vector<256x256xf32> to vector<256xf32>
      %broadcast_in_dim3A_226 = vector.shape_cast %reduce_min3A_225 : vector<256xf32> to vector<256x1xf32>
      %gt3A_227 = vector.broadcast %broadcast_in_dim3A_219 : vector<256x1xf32> to vector<256x256xf32>
      %gt3A_228 = arith.cmpf ogt, %select_n3A_217, %gt3A_227 : vector<256x256xf32>
      %jit3A_229 = arith.constant 3.000000e+38 : f32
      %broadcast_in_dim3A_230 = vector.broadcast %jit3A_229 : f32 to vector<256x256xf32>
      %select_n3A_231 = arith.select %gt3A_228, %select_n3A_217, %broadcast_in_dim3A_230 : vector<256x256xi1>, vector<256x256xf32>
      %reduce_min3A_232 = arith.constant dense<0x7F800000> : vector<256xf32>
      %reduce_min3A_233 = vector.multi_reduction <minimumf>, %select_n3A_231, %reduce_min3A_232 [1] : vector<256x256xf32> to vector<256xf32>
      %broadcast_in_dim3A_234 = vector.shape_cast %reduce_min3A_233 : vector<256xf32> to vector<256x1xf32>
      %min3A_235 = arith.minimumf %broadcast_in_dim3A_226, %broadcast_in_dim3A_234 : vector<256x1xf32>
      %gt3A_236 = vector.broadcast %min3A_235 : vector<256x1xf32> to vector<256x256xf32>
      %gt3A_237 = arith.cmpf ogt, %select_n3A_171, %gt3A_236 : vector<256x256xf32>
      %jit3A_238 = arith.constant 3.000000e+38 : f32
      %broadcast_in_dim3A_239 = vector.broadcast %jit3A_238 : f32 to vector<256x256xf32>
      %select_n3A_240 = arith.select %gt3A_237, %select_n3A_171, %broadcast_in_dim3A_239 : vector<256x256xi1>, vector<256x256xf32>
      %reduce_min3A_241 = arith.constant dense<0x7F800000> : vector<256xf32>
      %reduce_min3A_242 = vector.multi_reduction <minimumf>, %select_n3A_240, %reduce_min3A_241 [1] : vector<256x256xf32> to vector<256xf32>
      %broadcast_in_dim3A_243 = vector.shape_cast %reduce_min3A_242 : vector<256xf32> to vector<256x1xf32>
      %gt3A_244 = vector.broadcast %min3A_235 : vector<256x1xf32> to vector<256x256xf32>
      %gt3A_245 = arith.cmpf ogt, %select_n3A_217, %gt3A_244 : vector<256x256xf32>
      %jit3A_246 = arith.constant 3.000000e+38 : f32
      %broadcast_in_dim3A_247 = vector.broadcast %jit3A_246 : f32 to vector<256x256xf32>
      %select_n3A_248 = arith.select %gt3A_245, %select_n3A_217, %broadcast_in_dim3A_247 : vector<256x256xi1>, vector<256x256xf32>
      %reduce_min3A_249 = arith.constant dense<0x7F800000> : vector<256xf32>
      %reduce_min3A_250 = vector.multi_reduction <minimumf>, %select_n3A_248, %reduce_min3A_249 [1] : vector<256x256xf32> to vector<256xf32>
      %broadcast_in_dim3A_251 = vector.shape_cast %reduce_min3A_250 : vector<256xf32> to vector<256x1xf32>
      %min3A_252 = arith.minimumf %broadcast_in_dim3A_243, %broadcast_in_dim3A_251 : vector<256x1xf32>
      %gt3A_253 = vector.broadcast %min3A_252 : vector<256x1xf32> to vector<256x256xf32>
      %gt3A_254 = arith.cmpf ogt, %select_n3A_171, %gt3A_253 : vector<256x256xf32>
      %jit3A_255 = arith.constant 3.000000e+38 : f32
      %broadcast_in_dim3A_256 = vector.broadcast %jit3A_255 : f32 to vector<256x256xf32>
      %select_n3A_257 = arith.select %gt3A_254, %select_n3A_171, %broadcast_in_dim3A_256 : vector<256x256xi1>, vector<256x256xf32>
      %reduce_min3A_258 = arith.constant dense<0x7F800000> : vector<256xf32>
      %reduce_min3A_259 = vector.multi_reduction <minimumf>, %select_n3A_257, %reduce_min3A_258 [1] : vector<256x256xf32> to vector<256xf32>
      %broadcast_in_dim3A_260 = vector.shape_cast %reduce_min3A_259 : vector<256xf32> to vector<256x1xf32>
      %gt3A_261 = vector.broadcast %min3A_252 : vector<256x1xf32> to vector<256x256xf32>
      %gt3A_262 = arith.cmpf ogt, %select_n3A_217, %gt3A_261 : vector<256x256xf32>
      %jit3A_263 = arith.constant 3.000000e+38 : f32
      %broadcast_in_dim3A_264 = vector.broadcast %jit3A_263 : f32 to vector<256x256xf32>
      %select_n3A_265 = arith.select %gt3A_262, %select_n3A_217, %broadcast_in_dim3A_264 : vector<256x256xi1>, vector<256x256xf32>
      %reduce_min3A_266 = arith.constant dense<0x7F800000> : vector<256xf32>
      %reduce_min3A_267 = vector.multi_reduction <minimumf>, %select_n3A_265, %reduce_min3A_266 [1] : vector<256x256xf32> to vector<256xf32>
      %broadcast_in_dim3A_268 = vector.shape_cast %reduce_min3A_267 : vector<256xf32> to vector<256x1xf32>
      %min3A_269 = arith.minimumf %broadcast_in_dim3A_260, %broadcast_in_dim3A_268 : vector<256x1xf32>
      %gt3A_270 = vector.broadcast %min3A_269 : vector<256x1xf32> to vector<256x256xf32>
      %gt3A_271 = arith.cmpf ogt, %select_n3A_171, %gt3A_270 : vector<256x256xf32>
      %jit3A_272 = arith.constant 3.000000e+38 : f32
      %broadcast_in_dim3A_273 = vector.broadcast %jit3A_272 : f32 to vector<256x256xf32>
      %select_n3A_274 = arith.select %gt3A_271, %select_n3A_171, %broadcast_in_dim3A_273 : vector<256x256xi1>, vector<256x256xf32>
      %reduce_min3A_275 = arith.constant dense<0x7F800000> : vector<256xf32>
      %reduce_min3A_276 = vector.multi_reduction <minimumf>, %select_n3A_274, %reduce_min3A_275 [1] : vector<256x256xf32> to vector<256xf32>
      %broadcast_in_dim3A_277 = vector.shape_cast %reduce_min3A_276 : vector<256xf32> to vector<256x1xf32>
      %gt3A_278 = vector.broadcast %min3A_269 : vector<256x1xf32> to vector<256x256xf32>
      %gt3A_279 = arith.cmpf ogt, %select_n3A_217, %gt3A_278 : vector<256x256xf32>
      %jit3A_280 = arith.constant 3.000000e+38 : f32
      %broadcast_in_dim3A_281 = vector.broadcast %jit3A_280 : f32 to vector<256x256xf32>
      %select_n3A_282 = arith.select %gt3A_279, %select_n3A_217, %broadcast_in_dim3A_281 : vector<256x256xi1>, vector<256x256xf32>
      %reduce_min3A_283 = arith.constant dense<0x7F800000> : vector<256xf32>
      %reduce_min3A_284 = vector.multi_reduction <minimumf>, %select_n3A_282, %reduce_min3A_283 [1] : vector<256x256xf32> to vector<256xf32>
      %broadcast_in_dim3A_285 = vector.shape_cast %reduce_min3A_284 : vector<256xf32> to vector<256x1xf32>
      %min3A_286 = arith.minimumf %broadcast_in_dim3A_277, %broadcast_in_dim3A_285 : vector<256x1xf32>
      %gt3A_287 = vector.broadcast %min3A_286 : vector<256x1xf32> to vector<256x256xf32>
      %gt3A_288 = arith.cmpf ogt, %select_n3A_171, %gt3A_287 : vector<256x256xf32>
      %jit3A_289 = arith.constant 3.000000e+38 : f32
      %broadcast_in_dim3A_290 = vector.broadcast %jit3A_289 : f32 to vector<256x256xf32>
      %select_n3A_291 = arith.select %gt3A_288, %select_n3A_171, %broadcast_in_dim3A_290 : vector<256x256xi1>, vector<256x256xf32>
      %reduce_min3A_292 = arith.constant dense<0x7F800000> : vector<256xf32>
      %reduce_min3A_293 = vector.multi_reduction <minimumf>, %select_n3A_291, %reduce_min3A_292 [1] : vector<256x256xf32> to vector<256xf32>
      %broadcast_in_dim3A_294 = vector.shape_cast %reduce_min3A_293 : vector<256xf32> to vector<256x1xf32>
      %gt3A_295 = vector.broadcast %min3A_286 : vector<256x1xf32> to vector<256x256xf32>
      %gt3A_296 = arith.cmpf ogt, %select_n3A_217, %gt3A_295 : vector<256x256xf32>
      %jit3A_297 = arith.constant 3.000000e+38 : f32
      %broadcast_in_dim3A_298 = vector.broadcast %jit3A_297 : f32 to vector<256x256xf32>
      %select_n3A_299 = arith.select %gt3A_296, %select_n3A_217, %broadcast_in_dim3A_298 : vector<256x256xi1>, vector<256x256xf32>
      %reduce_min3A_300 = arith.constant dense<0x7F800000> : vector<256xf32>
      %reduce_min3A_301 = vector.multi_reduction <minimumf>, %select_n3A_299, %reduce_min3A_300 [1] : vector<256x256xf32> to vector<256xf32>
      %broadcast_in_dim3A_302 = vector.shape_cast %reduce_min3A_301 : vector<256xf32> to vector<256x1xf32>
      %min3A_303 = arith.minimumf %broadcast_in_dim3A_294, %broadcast_in_dim3A_302 : vector<256x1xf32>
      %gt3A_304 = vector.broadcast %min3A_303 : vector<256x1xf32> to vector<256x256xf32>
      %gt3A_305 = arith.cmpf ogt, %select_n3A_171, %gt3A_304 : vector<256x256xf32>
      %jit3A_306 = arith.constant 3.000000e+38 : f32
      %broadcast_in_dim3A_307 = vector.broadcast %jit3A_306 : f32 to vector<256x256xf32>
      %select_n3A_308 = arith.select %gt3A_305, %select_n3A_171, %broadcast_in_dim3A_307 : vector<256x256xi1>, vector<256x256xf32>
      %reduce_min3A_309 = arith.constant dense<0x7F800000> : vector<256xf32>
      %reduce_min3A_310 = vector.multi_reduction <minimumf>, %select_n3A_308, %reduce_min3A_309 [1] : vector<256x256xf32> to vector<256xf32>
      %broadcast_in_dim3A_311 = vector.shape_cast %reduce_min3A_310 : vector<256xf32> to vector<256x1xf32>
      %gt3A_312 = vector.broadcast %min3A_303 : vector<256x1xf32> to vector<256x256xf32>
      %gt3A_313 = arith.cmpf ogt, %select_n3A_217, %gt3A_312 : vector<256x256xf32>
      %jit3A_314 = arith.constant 3.000000e+38 : f32
      %broadcast_in_dim3A_315 = vector.broadcast %jit3A_314 : f32 to vector<256x256xf32>
      %select_n3A_316 = arith.select %gt3A_313, %select_n3A_217, %broadcast_in_dim3A_315 : vector<256x256xi1>, vector<256x256xf32>
      %reduce_min3A_317 = arith.constant dense<0x7F800000> : vector<256xf32>
      %reduce_min3A_318 = vector.multi_reduction <minimumf>, %select_n3A_316, %reduce_min3A_317 [1] : vector<256x256xf32> to vector<256xf32>
      %broadcast_in_dim3A_319 = vector.shape_cast %reduce_min3A_318 : vector<256xf32> to vector<256x1xf32>
      %min3A_320 = arith.minimumf %broadcast_in_dim3A_311, %broadcast_in_dim3A_319 : vector<256x1xf32>
      %gt3A_321 = vector.broadcast %min3A_320 : vector<256x1xf32> to vector<256x256xf32>
      %gt3A_322 = arith.cmpf ogt, %select_n3A_171, %gt3A_321 : vector<256x256xf32>
      %jit3A_323 = arith.constant 3.000000e+38 : f32
      %broadcast_in_dim3A_324 = vector.broadcast %jit3A_323 : f32 to vector<256x256xf32>
      %select_n3A_325 = arith.select %gt3A_322, %select_n3A_171, %broadcast_in_dim3A_324 : vector<256x256xi1>, vector<256x256xf32>
      %reduce_min3A_326 = arith.constant dense<0x7F800000> : vector<256xf32>
      %reduce_min3A_327 = vector.multi_reduction <minimumf>, %select_n3A_325, %reduce_min3A_326 [1] : vector<256x256xf32> to vector<256xf32>
      %broadcast_in_dim3A_328 = vector.shape_cast %reduce_min3A_327 : vector<256xf32> to vector<256x1xf32>
      %gt3A_329 = vector.broadcast %min3A_320 : vector<256x1xf32> to vector<256x256xf32>
      %gt3A_330 = arith.cmpf ogt, %select_n3A_217, %gt3A_329 : vector<256x256xf32>
      %jit3A_331 = arith.constant 3.000000e+38 : f32
      %broadcast_in_dim3A_332 = vector.broadcast %jit3A_331 : f32 to vector<256x256xf32>
      %select_n3A_333 = arith.select %gt3A_330, %select_n3A_217, %broadcast_in_dim3A_332 : vector<256x256xi1>, vector<256x256xf32>
      %reduce_min3A_334 = arith.constant dense<0x7F800000> : vector<256xf32>
      %reduce_min3A_335 = vector.multi_reduction <minimumf>, %select_n3A_333, %reduce_min3A_334 [1] : vector<256x256xf32> to vector<256xf32>
      %broadcast_in_dim3A_336 = vector.shape_cast %reduce_min3A_335 : vector<256xf32> to vector<256x1xf32>
      %min3A_337 = arith.minimumf %broadcast_in_dim3A_328, %broadcast_in_dim3A_336 : vector<256x1xf32>
      %gt3A_338 = vector.broadcast %min3A_337 : vector<256x1xf32> to vector<256x256xf32>
      %gt3A_339 = arith.cmpf ogt, %select_n3A_171, %gt3A_338 : vector<256x256xf32>
      %jit3A_340 = arith.constant 3.000000e+38 : f32
      %broadcast_in_dim3A_341 = vector.broadcast %jit3A_340 : f32 to vector<256x256xf32>
      %select_n3A_342 = arith.select %gt3A_339, %select_n3A_171, %broadcast_in_dim3A_341 : vector<256x256xi1>, vector<256x256xf32>
      %reduce_min3A_343 = arith.constant dense<0x7F800000> : vector<256xf32>
      %reduce_min3A_344 = vector.multi_reduction <minimumf>, %select_n3A_342, %reduce_min3A_343 [1] : vector<256x256xf32> to vector<256xf32>
      %broadcast_in_dim3A_345 = vector.shape_cast %reduce_min3A_344 : vector<256xf32> to vector<256x1xf32>
      %gt3A_346 = vector.broadcast %min3A_337 : vector<256x1xf32> to vector<256x256xf32>
      %gt3A_347 = arith.cmpf ogt, %select_n3A_217, %gt3A_346 : vector<256x256xf32>
      %jit3A_348 = arith.constant 3.000000e+38 : f32
      %broadcast_in_dim3A_349 = vector.broadcast %jit3A_348 : f32 to vector<256x256xf32>
      %select_n3A_350 = arith.select %gt3A_347, %select_n3A_217, %broadcast_in_dim3A_349 : vector<256x256xi1>, vector<256x256xf32>
      %reduce_min3A_351 = arith.constant dense<0x7F800000> : vector<256xf32>
      %reduce_min3A_352 = vector.multi_reduction <minimumf>, %select_n3A_350, %reduce_min3A_351 [1] : vector<256x256xf32> to vector<256xf32>
      %broadcast_in_dim3A_353 = vector.shape_cast %reduce_min3A_352 : vector<256xf32> to vector<256x1xf32>
      %min3A_354 = arith.minimumf %broadcast_in_dim3A_345, %broadcast_in_dim3A_353 : vector<256x1xf32>
      %gt3A_355 = vector.broadcast %min3A_354 : vector<256x1xf32> to vector<256x256xf32>
      %gt3A_356 = arith.cmpf ogt, %select_n3A_171, %gt3A_355 : vector<256x256xf32>
      %jit3A_357 = arith.constant 3.000000e+38 : f32
      %broadcast_in_dim3A_358 = vector.broadcast %jit3A_357 : f32 to vector<256x256xf32>
      %select_n3A_359 = arith.select %gt3A_356, %select_n3A_171, %broadcast_in_dim3A_358 : vector<256x256xi1>, vector<256x256xf32>
      %reduce_min3A_360 = arith.constant dense<0x7F800000> : vector<256xf32>
      %reduce_min3A_361 = vector.multi_reduction <minimumf>, %select_n3A_359, %reduce_min3A_360 [1] : vector<256x256xf32> to vector<256xf32>
      %broadcast_in_dim3A_362 = vector.shape_cast %reduce_min3A_361 : vector<256xf32> to vector<256x1xf32>
      %gt3A_363 = vector.broadcast %min3A_354 : vector<256x1xf32> to vector<256x256xf32>
      %gt3A_364 = arith.cmpf ogt, %select_n3A_217, %gt3A_363 : vector<256x256xf32>
      %jit3A_365 = arith.constant 3.000000e+38 : f32
      %broadcast_in_dim3A_366 = vector.broadcast %jit3A_365 : f32 to vector<256x256xf32>
      %select_n3A_367 = arith.select %gt3A_364, %select_n3A_217, %broadcast_in_dim3A_366 : vector<256x256xi1>, vector<256x256xf32>
      %reduce_min3A_368 = arith.constant dense<0x7F800000> : vector<256xf32>
      %reduce_min3A_369 = vector.multi_reduction <minimumf>, %select_n3A_367, %reduce_min3A_368 [1] : vector<256x256xf32> to vector<256xf32>
      %broadcast_in_dim3A_370 = vector.shape_cast %reduce_min3A_369 : vector<256xf32> to vector<256x1xf32>
      %min3A_371 = arith.minimumf %broadcast_in_dim3A_362, %broadcast_in_dim3A_370 : vector<256x1xf32>
      %gt3A_372 = vector.broadcast %min3A_371 : vector<256x1xf32> to vector<256x256xf32>
      %gt3A_373 = arith.cmpf ogt, %select_n3A_171, %gt3A_372 : vector<256x256xf32>
      %jit3A_374 = arith.constant 3.000000e+38 : f32
      %broadcast_in_dim3A_375 = vector.broadcast %jit3A_374 : f32 to vector<256x256xf32>
      %select_n3A_376 = arith.select %gt3A_373, %select_n3A_171, %broadcast_in_dim3A_375 : vector<256x256xi1>, vector<256x256xf32>
      %reduce_min3A_377 = arith.constant dense<0x7F800000> : vector<256xf32>
      %reduce_min3A_378 = vector.multi_reduction <minimumf>, %select_n3A_376, %reduce_min3A_377 [1] : vector<256x256xf32> to vector<256xf32>
      %broadcast_in_dim3A_379 = vector.shape_cast %reduce_min3A_378 : vector<256xf32> to vector<256x1xf32>
      %gt3A_380 = vector.broadcast %min3A_371 : vector<256x1xf32> to vector<256x256xf32>
      %gt3A_381 = arith.cmpf ogt, %select_n3A_217, %gt3A_380 : vector<256x256xf32>
      %jit3A_382 = arith.constant 3.000000e+38 : f32
      %broadcast_in_dim3A_383 = vector.broadcast %jit3A_382 : f32 to vector<256x256xf32>
      %select_n3A_384 = arith.select %gt3A_381, %select_n3A_217, %broadcast_in_dim3A_383 : vector<256x256xi1>, vector<256x256xf32>
      %reduce_min3A_385 = arith.constant dense<0x7F800000> : vector<256xf32>
      %reduce_min3A_386 = vector.multi_reduction <minimumf>, %select_n3A_384, %reduce_min3A_385 [1] : vector<256x256xf32> to vector<256xf32>
      %broadcast_in_dim3A_387 = vector.shape_cast %reduce_min3A_386 : vector<256xf32> to vector<256x1xf32>
      %min3A_388 = arith.minimumf %broadcast_in_dim3A_379, %broadcast_in_dim3A_387 : vector<256x1xf32>
      %gt3A_389 = vector.broadcast %min3A_388 : vector<256x1xf32> to vector<256x256xf32>
      %gt3A_390 = arith.cmpf ogt, %select_n3A_171, %gt3A_389 : vector<256x256xf32>
      %jit3A_391 = arith.constant 3.000000e+38 : f32
      %broadcast_in_dim3A_392 = vector.broadcast %jit3A_391 : f32 to vector<256x256xf32>
      %select_n3A_393 = arith.select %gt3A_390, %select_n3A_171, %broadcast_in_dim3A_392 : vector<256x256xi1>, vector<256x256xf32>
      %reduce_min3A_394 = arith.constant dense<0x7F800000> : vector<256xf32>
      %reduce_min3A_395 = vector.multi_reduction <minimumf>, %select_n3A_393, %reduce_min3A_394 [1] : vector<256x256xf32> to vector<256xf32>
      %broadcast_in_dim3A_396 = vector.shape_cast %reduce_min3A_395 : vector<256xf32> to vector<256x1xf32>
      %gt3A_397 = vector.broadcast %min3A_388 : vector<256x1xf32> to vector<256x256xf32>
      %gt3A_398 = arith.cmpf ogt, %select_n3A_217, %gt3A_397 : vector<256x256xf32>
      %jit3A_399 = arith.constant 3.000000e+38 : f32
      %broadcast_in_dim3A_400 = vector.broadcast %jit3A_399 : f32 to vector<256x256xf32>
      %select_n3A_401 = arith.select %gt3A_398, %select_n3A_217, %broadcast_in_dim3A_400 : vector<256x256xi1>, vector<256x256xf32>
      %reduce_min3A_402 = arith.constant dense<0x7F800000> : vector<256xf32>
      %reduce_min3A_403 = vector.multi_reduction <minimumf>, %select_n3A_401, %reduce_min3A_402 [1] : vector<256x256xf32> to vector<256xf32>
      %broadcast_in_dim3A_404 = vector.shape_cast %reduce_min3A_403 : vector<256xf32> to vector<256x1xf32>
      %min3A_405 = arith.minimumf %broadcast_in_dim3A_396, %broadcast_in_dim3A_404 : vector<256x1xf32>
      %gt3A_406 = vector.broadcast %min3A_405 : vector<256x1xf32> to vector<256x256xf32>
      %gt3A_407 = arith.cmpf ogt, %select_n3A_171, %gt3A_406 : vector<256x256xf32>
      %jit3A_408 = arith.constant 3.000000e+38 : f32
      %broadcast_in_dim3A_409 = vector.broadcast %jit3A_408 : f32 to vector<256x256xf32>
      %select_n3A_410 = arith.select %gt3A_407, %select_n3A_171, %broadcast_in_dim3A_409 : vector<256x256xi1>, vector<256x256xf32>
      %reduce_min3A_411 = arith.constant dense<0x7F800000> : vector<256xf32>
      %reduce_min3A_412 = vector.multi_reduction <minimumf>, %select_n3A_410, %reduce_min3A_411 [1] : vector<256x256xf32> to vector<256xf32>
      %broadcast_in_dim3A_413 = vector.shape_cast %reduce_min3A_412 : vector<256xf32> to vector<256x1xf32>
      %gt3A_414 = vector.broadcast %min3A_405 : vector<256x1xf32> to vector<256x256xf32>
      %gt3A_415 = arith.cmpf ogt, %select_n3A_217, %gt3A_414 : vector<256x256xf32>
      %jit3A_416 = arith.constant 3.000000e+38 : f32
      %broadcast_in_dim3A_417 = vector.broadcast %jit3A_416 : f32 to vector<256x256xf32>
      %select_n3A_418 = arith.select %gt3A_415, %select_n3A_217, %broadcast_in_dim3A_417 : vector<256x256xi1>, vector<256x256xf32>
      %reduce_min3A_419 = arith.constant dense<0x7F800000> : vector<256xf32>
      %reduce_min3A_420 = vector.multi_reduction <minimumf>, %select_n3A_418, %reduce_min3A_419 [1] : vector<256x256xf32> to vector<256xf32>
      %broadcast_in_dim3A_421 = vector.shape_cast %reduce_min3A_420 : vector<256xf32> to vector<256x1xf32>
      %min3A_422 = arith.minimumf %broadcast_in_dim3A_413, %broadcast_in_dim3A_421 : vector<256x1xf32>
      %gt3A_423 = vector.broadcast %min3A_422 : vector<256x1xf32> to vector<256x256xf32>
      %gt3A_424 = arith.cmpf ogt, %select_n3A_171, %gt3A_423 : vector<256x256xf32>
      %jit3A_425 = arith.constant 3.000000e+38 : f32
      %broadcast_in_dim3A_426 = vector.broadcast %jit3A_425 : f32 to vector<256x256xf32>
      %select_n3A_427 = arith.select %gt3A_424, %select_n3A_171, %broadcast_in_dim3A_426 : vector<256x256xi1>, vector<256x256xf32>
      %reduce_min3A_428 = arith.constant dense<0x7F800000> : vector<256xf32>
      %reduce_min3A_429 = vector.multi_reduction <minimumf>, %select_n3A_427, %reduce_min3A_428 [1] : vector<256x256xf32> to vector<256xf32>
      %broadcast_in_dim3A_430 = vector.shape_cast %reduce_min3A_429 : vector<256xf32> to vector<256x1xf32>
      %gt3A_431 = vector.broadcast %min3A_422 : vector<256x1xf32> to vector<256x256xf32>
      %gt3A_432 = arith.cmpf ogt, %select_n3A_217, %gt3A_431 : vector<256x256xf32>
      %jit3A_433 = arith.constant 3.000000e+38 : f32
      %broadcast_in_dim3A_434 = vector.broadcast %jit3A_433 : f32 to vector<256x256xf32>
      %select_n3A_435 = arith.select %gt3A_432, %select_n3A_217, %broadcast_in_dim3A_434 : vector<256x256xi1>, vector<256x256xf32>
      %reduce_min3A_436 = arith.constant dense<0x7F800000> : vector<256xf32>
      %reduce_min3A_437 = vector.multi_reduction <minimumf>, %select_n3A_435, %reduce_min3A_436 [1] : vector<256x256xf32> to vector<256xf32>
      %broadcast_in_dim3A_438 = vector.shape_cast %reduce_min3A_437 : vector<256xf32> to vector<256x1xf32>
      %min3A_439 = arith.minimumf %broadcast_in_dim3A_430, %broadcast_in_dim3A_438 : vector<256x1xf32>
      %gt3A_440 = vector.broadcast %min3A_439 : vector<256x1xf32> to vector<256x256xf32>
      %gt3A_441 = arith.cmpf ogt, %select_n3A_171, %gt3A_440 : vector<256x256xf32>
      %jit3A_442 = arith.constant 3.000000e+38 : f32
      %broadcast_in_dim3A_443 = vector.broadcast %jit3A_442 : f32 to vector<256x256xf32>
      %select_n3A_444 = arith.select %gt3A_441, %select_n3A_171, %broadcast_in_dim3A_443 : vector<256x256xi1>, vector<256x256xf32>
      %reduce_min3A_445 = arith.constant dense<0x7F800000> : vector<256xf32>
      %reduce_min3A_446 = vector.multi_reduction <minimumf>, %select_n3A_444, %reduce_min3A_445 [1] : vector<256x256xf32> to vector<256xf32>
      %broadcast_in_dim3A_447 = vector.shape_cast %reduce_min3A_446 : vector<256xf32> to vector<256x1xf32>
      %gt3A_448 = vector.broadcast %min3A_439 : vector<256x1xf32> to vector<256x256xf32>
      %gt3A_449 = arith.cmpf ogt, %select_n3A_217, %gt3A_448 : vector<256x256xf32>
      %jit3A_450 = arith.constant 3.000000e+38 : f32
      %broadcast_in_dim3A_451 = vector.broadcast %jit3A_450 : f32 to vector<256x256xf32>
      %select_n3A_452 = arith.select %gt3A_449, %select_n3A_217, %broadcast_in_dim3A_451 : vector<256x256xi1>, vector<256x256xf32>
      %reduce_min3A_453 = arith.constant dense<0x7F800000> : vector<256xf32>
      %reduce_min3A_454 = vector.multi_reduction <minimumf>, %select_n3A_452, %reduce_min3A_453 [1] : vector<256x256xf32> to vector<256xf32>
      %broadcast_in_dim3A_455 = vector.shape_cast %reduce_min3A_454 : vector<256xf32> to vector<256x1xf32>
      %min3A_456 = arith.minimumf %broadcast_in_dim3A_447, %broadcast_in_dim3A_455 : vector<256x1xf32>
      %gt3A_457 = vector.broadcast %min3A_456 : vector<256x1xf32> to vector<256x256xf32>
      %gt3A_458 = arith.cmpf ogt, %select_n3A_171, %gt3A_457 : vector<256x256xf32>
      %jit3A_459 = arith.constant 3.000000e+38 : f32
      %broadcast_in_dim3A_460 = vector.broadcast %jit3A_459 : f32 to vector<256x256xf32>
      %select_n3A_461 = arith.select %gt3A_458, %select_n3A_171, %broadcast_in_dim3A_460 : vector<256x256xi1>, vector<256x256xf32>
      %reduce_min3A_462 = arith.constant dense<0x7F800000> : vector<256xf32>
      %reduce_min3A_463 = vector.multi_reduction <minimumf>, %select_n3A_461, %reduce_min3A_462 [1] : vector<256x256xf32> to vector<256xf32>
      %broadcast_in_dim3A_464 = vector.shape_cast %reduce_min3A_463 : vector<256xf32> to vector<256x1xf32>
      %gt3A_465 = vector.broadcast %min3A_456 : vector<256x1xf32> to vector<256x256xf32>
      %gt3A_466 = arith.cmpf ogt, %select_n3A_217, %gt3A_465 : vector<256x256xf32>
      %jit3A_467 = arith.constant 3.000000e+38 : f32
      %broadcast_in_dim3A_468 = vector.broadcast %jit3A_467 : f32 to vector<256x256xf32>
      %select_n3A_469 = arith.select %gt3A_466, %select_n3A_217, %broadcast_in_dim3A_468 : vector<256x256xi1>, vector<256x256xf32>
      %reduce_min3A_470 = arith.constant dense<0x7F800000> : vector<256xf32>
      %reduce_min3A_471 = vector.multi_reduction <minimumf>, %select_n3A_469, %reduce_min3A_470 [1] : vector<256x256xf32> to vector<256xf32>
      %broadcast_in_dim3A_472 = vector.shape_cast %reduce_min3A_471 : vector<256xf32> to vector<256x1xf32>
      %min3A_473 = arith.minimumf %broadcast_in_dim3A_464, %broadcast_in_dim3A_472 : vector<256x1xf32>
      %gt3A_474 = vector.broadcast %min3A_473 : vector<256x1xf32> to vector<256x256xf32>
      %gt3A_475 = arith.cmpf ogt, %select_n3A_171, %gt3A_474 : vector<256x256xf32>
      %jit3A_476 = arith.constant 3.000000e+38 : f32
      %broadcast_in_dim3A_477 = vector.broadcast %jit3A_476 : f32 to vector<256x256xf32>
      %select_n3A_478 = arith.select %gt3A_475, %select_n3A_171, %broadcast_in_dim3A_477 : vector<256x256xi1>, vector<256x256xf32>
      %reduce_min3A_479 = arith.constant dense<0x7F800000> : vector<256xf32>
      %reduce_min3A_480 = vector.multi_reduction <minimumf>, %select_n3A_478, %reduce_min3A_479 [1] : vector<256x256xf32> to vector<256xf32>
      %broadcast_in_dim3A_481 = vector.shape_cast %reduce_min3A_480 : vector<256xf32> to vector<256x1xf32>
      %gt3A_482 = vector.broadcast %min3A_473 : vector<256x1xf32> to vector<256x256xf32>
      %gt3A_483 = arith.cmpf ogt, %select_n3A_217, %gt3A_482 : vector<256x256xf32>
      %jit3A_484 = arith.constant 3.000000e+38 : f32
      %broadcast_in_dim3A_485 = vector.broadcast %jit3A_484 : f32 to vector<256x256xf32>
      %select_n3A_486 = arith.select %gt3A_483, %select_n3A_217, %broadcast_in_dim3A_485 : vector<256x256xi1>, vector<256x256xf32>
      %reduce_min3A_487 = arith.constant dense<0x7F800000> : vector<256xf32>
      %reduce_min3A_488 = vector.multi_reduction <minimumf>, %select_n3A_486, %reduce_min3A_487 [1] : vector<256x256xf32> to vector<256xf32>
      %broadcast_in_dim3A_489 = vector.shape_cast %reduce_min3A_488 : vector<256xf32> to vector<256x1xf32>
      %min3A_490 = arith.minimumf %broadcast_in_dim3A_481, %broadcast_in_dim3A_489 : vector<256x1xf32>
      %broadcast_in_dim3A_491 = arith.constant 0.000000e+00 : f32
      %broadcast_in_dim3A_492 = vector.broadcast %broadcast_in_dim3A_491 : f32 to vector<256x1xf32>
      %broadcast_in_dim3A_493 = arith.constant -3.000000e+38 : f32
      %broadcast_in_dim3A_494 = vector.broadcast %broadcast_in_dim3A_493 : f32 to vector<256x1xf32>
      %add3A_495 = arith.constant 1 : i32
      %add3A_496 = arith.addi %min3A_128, %add3A_495 : i32
      %get3A_497 = arith.constant 0 : index
      %get3A_498 = arith.constant 3 : index
      %get3A_499 = arith.index_cast %min3A_128 : i32 to index
      %get3A_500 = arith.constant 0 : index
      %get3A_501 = vector.load %arg3[%get3A_497, %get3A_498, %get3A_499, %get3A_500] : memref<1x4x16x256xf32, #tpu.memory_space<vmem>>, vector<1x1x1x256xf32>
      %get3A_502 = vector.shape_cast %get3A_501 : vector<1x1x1x256xf32> to vector<1x256xf32>
      %mul3A_503 = arith.constant -1.000000e+01 : f32
      %mul3A_504 = vector.broadcast %mul3A_503 : f32 to vector<256x256xf32>
      %mul3A_505 = arith.mulf %mul3A_504, %select_n3A_171 : vector<256x256xf32>
      %exp3A = math.exp %mul3A_505 : vector<256x256xf32>
      %mul3A_506 = vector.broadcast %get3A_502 : vector<1x256xf32> to vector<256x256xf32>
      %mul3A_507 = arith.mulf %mul3A_506, %exp3A : vector<256x256xf32>
      %le3A_508 = vector.broadcast %min3A_490 : vector<256x1xf32> to vector<256x256xf32>
      %le3A_509 = arith.cmpf ole, %select_n3A_171, %le3A_508 : vector<256x256xf32>
      %jit3A_510 = arith.constant 0.000000e+00 : f32
      %broadcast_in_dim3A_511 = vector.broadcast %jit3A_510 : f32 to vector<256x256xf32>
      %select_n3A_512 = arith.select %le3A_509, %mul3A_507, %broadcast_in_dim3A_511 : vector<256x256xi1>, vector<256x256xf32>
      %reduce_sum3A_513 = arith.constant dense<0.000000e+00> : vector<256xf32>
      %reduce_sum3A_514 = vector.multi_reduction <add>, %select_n3A_512, %reduce_sum3A_513 [1] : vector<256x256xf32> to vector<256xf32>
      %broadcast_in_dim3A_515 = vector.shape_cast %reduce_sum3A_514 : vector<256xf32> to vector<256x1xf32>
      %add3A_516 = arith.addf %broadcast_in_dim3A_492, %broadcast_in_dim3A_515 : vector<256x1xf32>
      %jit3A_517 = arith.constant -3.000000e+38 : f32
      %broadcast_in_dim3A_518 = vector.broadcast %jit3A_517 : f32 to vector<256x256xf32>
      %select_n3A_519 = arith.select %le3A_509, %mul3A_507, %broadcast_in_dim3A_518 : vector<256x256xi1>, vector<256x256xf32>
      %reduce_max3A_520 = arith.constant dense<0xFF800000> : vector<256xf32>
      %reduce_max3A_521 = vector.multi_reduction <maximumf>, %select_n3A_519, %reduce_max3A_520 [1] : vector<256x256xf32> to vector<256xf32>
      %broadcast_in_dim3A_522 = vector.shape_cast %reduce_max3A_521 : vector<256xf32> to vector<256x1xf32>
      %max3A = arith.maximumf %broadcast_in_dim3A_494, %broadcast_in_dim3A_522 : vector<256x1xf32>
      %get3A_523 = arith.constant 0 : index
      %get3A_524 = arith.constant 3 : index
      %get3A_525 = arith.index_cast %add3A_496 : i32 to index
      %get3A_526 = arith.constant 0 : index
      %get3A_527 = vector.load %arg3[%get3A_523, %get3A_524, %get3A_525, %get3A_526] : memref<1x4x16x256xf32, #tpu.memory_space<vmem>>, vector<1x1x1x256xf32>
      %get3A_528 = vector.shape_cast %get3A_527 : vector<1x1x1x256xf32> to vector<1x256xf32>
      %mul3A_529 = arith.constant -1.000000e+01 : f32
      %mul3A_530 = vector.broadcast %mul3A_529 : f32 to vector<256x256xf32>
      %mul3A_531 = arith.mulf %mul3A_530, %select_n3A_217 : vector<256x256xf32>
      %exp3A_532 = math.exp %mul3A_531 : vector<256x256xf32>
      %mul3A_533 = vector.broadcast %get3A_528 : vector<1x256xf32> to vector<256x256xf32>
      %mul3A_534 = arith.mulf %mul3A_533, %exp3A_532 : vector<256x256xf32>
      %le3A_535 = vector.broadcast %min3A_490 : vector<256x1xf32> to vector<256x256xf32>
      %le3A_536 = arith.cmpf ole, %select_n3A_217, %le3A_535 : vector<256x256xf32>
      %jit3A_537 = arith.constant 0.000000e+00 : f32
      %broadcast_in_dim3A_538 = vector.broadcast %jit3A_537 : f32 to vector<256x256xf32>
      %select_n3A_539 = arith.select %le3A_536, %mul3A_534, %broadcast_in_dim3A_538 : vector<256x256xi1>, vector<256x256xf32>
      %reduce_sum3A_540 = arith.constant dense<0.000000e+00> : vector<256xf32>
      %reduce_sum3A_541 = vector.multi_reduction <add>, %select_n3A_539, %reduce_sum3A_540 [1] : vector<256x256xf32> to vector<256xf32>
      %broadcast_in_dim3A_542 = vector.shape_cast %reduce_sum3A_541 : vector<256xf32> to vector<256x1xf32>
      %add3A_543 = arith.addf %add3A_516, %broadcast_in_dim3A_542 : vector<256x1xf32>
      %jit3A_544 = arith.constant -3.000000e+38 : f32
      %broadcast_in_dim3A_545 = vector.broadcast %jit3A_544 : f32 to vector<256x256xf32>
      %select_n3A_546 = arith.select %le3A_536, %mul3A_534, %broadcast_in_dim3A_545 : vector<256x256xi1>, vector<256x256xf32>
      %reduce_max3A_547 = arith.constant dense<0xFF800000> : vector<256xf32>
      %reduce_max3A_548 = vector.multi_reduction <maximumf>, %select_n3A_546, %reduce_max3A_547 [1] : vector<256x256xf32> to vector<256xf32>
      %broadcast_in_dim3A_549 = vector.shape_cast %reduce_max3A_548 : vector<256xf32> to vector<256x1xf32>
      %max3A_550 = arith.maximumf %max3A, %broadcast_in_dim3A_549 : vector<256x1xf32>
      scf.yield %add3A_543, %max3A_550 : vector<256x1xf32>, vector<256x1xf32>
    } else {
      %while3A = arith.constant 0 : i32
      %while3A_127 = arith.subi %select_n3A_79, %select_n3A : i32
      %while3A_128 = arith.addi %select_n3A, %while3A_127 : i32
      %while3A_129 = arith.constant 1 : i32
      %while3A_130 = arith.divsi %while3A_127, %while3A_129 : i32
      %while3A_131 = arith.muli %while3A_130, %while3A_129 : i32
      %while3A_132 = arith.addi %select_n3A, %while3A_131 : i32
      %while3A_133 = arith.constant 1 : i32
      scf.for %while3A_342 = %select_n3A to %while3A_132 step %while3A_133  : i32 {
        %get3A_343 = arith.constant 0 : index
        %get3A_344 = arith.constant 0 : index
        %get3A_345 = arith.index_cast %while3A_342 : i32 to index
        %get3A_346 = arith.constant 0 : index
        %get3A_347 = vector.load %arg3[%get3A_343, %get3A_344, %get3A_345, %get3A_346] : memref<1x4x16x256xf32, #tpu.memory_space<vmem>>, vector<1x1x1x256xf32>
        %get3A_348 = vector.shape_cast %get3A_347 : vector<1x1x1x256xf32> to vector<1x256xf32>
        %get3A_349 = arith.constant 0 : index
        %get3A_350 = arith.constant 1 : index
        %get3A_351 = arith.index_cast %while3A_342 : i32 to index
        %get3A_352 = arith.constant 0 : index
        %get3A_353 = vector.load %arg3[%get3A_349, %get3A_350, %get3A_351, %get3A_352] : memref<1x4x16x256xf32, #tpu.memory_space<vmem>>, vector<1x1x1x256xf32>
        %get3A_354 = vector.shape_cast %get3A_353 : vector<1x1x1x256xf32> to vector<1x256xf32>
        %get3A_355 = arith.constant 0 : index
        %get3A_356 = arith.constant 2 : index
        %get3A_357 = arith.index_cast %while3A_342 : i32 to index
        %get3A_358 = arith.constant 0 : index
        %get3A_359 = vector.load %arg3[%get3A_355, %get3A_356, %get3A_357, %get3A_358] : memref<1x4x16x256xf32, #tpu.memory_space<vmem>>, vector<1x1x1x256xf32>
        %get3A_360 = vector.shape_cast %get3A_359 : vector<1x1x1x256xf32> to vector<1x256xf32>
        %get3A_361 = arith.constant 0 : index
        %get3A_362 = arith.index_cast %while3A_342 : i32 to index
        %get3A_363 = arith.constant 0 : index
        %get3A_364 = arith.constant 0 : index
        %get3A_365 = vector.load %arg5[%get3A_361, %get3A_362, %get3A_363, %get3A_364] : memref<1x16x1x256xi32, #tpu.memory_space<vmem>>, vector<1x1x1x256xi32>
        %get3A_366 = vector.shape_cast %get3A_365 : vector<1x1x1x256xi32> to vector<1x256xi32>
        %sub3A_367 = vector.broadcast %slice3A : vector<256x1xf32> to vector<256x256xf32>
        %sub3A_368 = vector.broadcast %get3A_348 : vector<1x256xf32> to vector<256x256xf32>
        %sub3A_369 = arith.subf %sub3A_367, %sub3A_368 : vector<256x256xf32>
        %sub3A_370 = vector.broadcast %slice3A_9 : vector<256x1xf32> to vector<256x256xf32>
        %sub3A_371 = vector.broadcast %get3A_354 : vector<1x256xf32> to vector<256x256xf32>
        %sub3A_372 = arith.subf %sub3A_370, %sub3A_371 : vector<256x256xf32>
        %sub3A_373 = vector.broadcast %slice3A_10 : vector<256x1xf32> to vector<256x256xf32>
        %sub3A_374 = vector.broadcast %get3A_360 : vector<1x256xf32> to vector<256x256xf32>
        %sub3A_375 = arith.subf %sub3A_373, %sub3A_374 : vector<256x256xf32>
        %mul3A_376 = arith.mulf %sub3A_369, %sub3A_369 : vector<256x256xf32>
        %mul3A_377 = arith.mulf %sub3A_372, %sub3A_372 : vector<256x256xf32>
        %add3A_378 = arith.addf %mul3A_376, %mul3A_377 : vector<256x256xf32>
        %mul3A_379 = arith.mulf %sub3A_375, %sub3A_375 : vector<256x256xf32>
        %add3A_380 = arith.addf %add3A_378, %mul3A_379 : vector<256x256xf32>
        %ne3A_381 = vector.broadcast %get3A_8 : vector<256x1xi32> to vector<256x256xi32>
        %ne3A_382 = vector.broadcast %get3A_366 : vector<1x256xi32> to vector<256x256xi32>
        %ne3A_383 = arith.cmpi ne, %ne3A_381, %ne3A_382 : vector<256x256xi32>
        %jit3A_384 = arith.constant 1.000000e+10 : f32
        %broadcast_in_dim3A_385 = vector.broadcast %jit3A_384 : f32 to vector<256x256xf32>
        %select_n3A_386 = arith.select %ne3A_383, %broadcast_in_dim3A_385, %add3A_380 : vector<256x256xi1>, vector<256x256xf32>
        %swap3A_387 = arith.index_cast %while3A_342 : i32 to index
        %swap3A_388 = arith.constant 0 : index
        %swap3A_389 = arith.constant 0 : index
        %swap3A_390 = vector.load %arg11[%swap3A_387, %swap3A_388, %swap3A_389] : memref<16x256x256xf32, #tpu.memory_space<vmem>>, vector<1x256x256xf32>
        %swap3A_391 = vector.shape_cast %swap3A_390 : vector<1x256x256xf32> to vector<256x256xf32>
        %swap3A_392 = vector.shape_cast %select_n3A_386 : vector<256x256xf32> to vector<1x256x256xf32>
        tpu.vector_store %arg11[%swap3A_387, %swap3A_388, %swap3A_389], %swap3A_392 {strides = array<i32>} : memref<16x256x256xf32, #tpu.memory_space<vmem>>, vector<1x256x256xf32>,
      }
      %while3A_134 = arith.constant 1 : i32
      scf.for %while3A_342 = %while3A_132 to %while3A_128 step %while3A_134  : i32 {
        %get3A_343 = arith.constant 0 : index
        %get3A_344 = arith.constant 0 : index
        %get3A_345 = arith.index_cast %while3A_342 : i32 to index
        %get3A_346 = arith.constant 0 : index
        %get3A_347 = vector.load %arg3[%get3A_343, %get3A_344, %get3A_345, %get3A_346] : memref<1x4x16x256xf32, #tpu.memory_space<vmem>>, vector<1x1x1x256xf32>
        %get3A_348 = vector.shape_cast %get3A_347 : vector<1x1x1x256xf32> to vector<1x256xf32>
        %get3A_349 = arith.constant 0 : index
        %get3A_350 = arith.constant 1 : index
        %get3A_351 = arith.index_cast %while3A_342 : i32 to index
        %get3A_352 = arith.constant 0 : index
        %get3A_353 = vector.load %arg3[%get3A_349, %get3A_350, %get3A_351, %get3A_352] : memref<1x4x16x256xf32, #tpu.memory_space<vmem>>, vector<1x1x1x256xf32>
        %get3A_354 = vector.shape_cast %get3A_353 : vector<1x1x1x256xf32> to vector<1x256xf32>
        %get3A_355 = arith.constant 0 : index
        %get3A_356 = arith.constant 2 : index
        %get3A_357 = arith.index_cast %while3A_342 : i32 to index
        %get3A_358 = arith.constant 0 : index
        %get3A_359 = vector.load %arg3[%get3A_355, %get3A_356, %get3A_357, %get3A_358] : memref<1x4x16x256xf32, #tpu.memory_space<vmem>>, vector<1x1x1x256xf32>
        %get3A_360 = vector.shape_cast %get3A_359 : vector<1x1x1x256xf32> to vector<1x256xf32>
        %get3A_361 = arith.constant 0 : index
        %get3A_362 = arith.index_cast %while3A_342 : i32 to index
        %get3A_363 = arith.constant 0 : index
        %get3A_364 = arith.constant 0 : index
        %get3A_365 = vector.load %arg5[%get3A_361, %get3A_362, %get3A_363, %get3A_364] : memref<1x16x1x256xi32, #tpu.memory_space<vmem>>, vector<1x1x1x256xi32>
        %get3A_366 = vector.shape_cast %get3A_365 : vector<1x1x1x256xi32> to vector<1x256xi32>
        %sub3A_367 = vector.broadcast %slice3A : vector<256x1xf32> to vector<256x256xf32>
        %sub3A_368 = vector.broadcast %get3A_348 : vector<1x256xf32> to vector<256x256xf32>
        %sub3A_369 = arith.subf %sub3A_367, %sub3A_368 : vector<256x256xf32>
        %sub3A_370 = vector.broadcast %slice3A_9 : vector<256x1xf32> to vector<256x256xf32>
        %sub3A_371 = vector.broadcast %get3A_354 : vector<1x256xf32> to vector<256x256xf32>
        %sub3A_372 = arith.subf %sub3A_370, %sub3A_371 : vector<256x256xf32>
        %sub3A_373 = vector.broadcast %slice3A_10 : vector<256x1xf32> to vector<256x256xf32>
        %sub3A_374 = vector.broadcast %get3A_360 : vector<1x256xf32> to vector<256x256xf32>
        %sub3A_375 = arith.subf %sub3A_373, %sub3A_374 : vector<256x256xf32>
        %mul3A_376 = arith.mulf %sub3A_369, %sub3A_369 : vector<256x256xf32>
        %mul3A_377 = arith.mulf %sub3A_372, %sub3A_372 : vector<256x256xf32>
        %add3A_378 = arith.addf %mul3A_376, %mul3A_377 : vector<256x256xf32>
        %mul3A_379 = arith.mulf %sub3A_375, %sub3A_375 : vector<256x256xf32>
        %add3A_380 = arith.addf %add3A_378, %mul3A_379 : vector<256x256xf32>
        %ne3A_381 = vector.broadcast %get3A_8 : vector<256x1xi32> to vector<256x256xi32>
        %ne3A_382 = vector.broadcast %get3A_366 : vector<1x256xi32> to vector<256x256xi32>
        %ne3A_383 = arith.cmpi ne, %ne3A_381, %ne3A_382 : vector<256x256xi32>
        %jit3A_384 = arith.constant 1.000000e+10 : f32
        %broadcast_in_dim3A_385 = vector.broadcast %jit3A_384 : f32 to vector<256x256xf32>
        %select_n3A_386 = arith.select %ne3A_383, %broadcast_in_dim3A_385, %add3A_380 : vector<256x256xi1>, vector<256x256xf32>
        %swap3A_387 = arith.index_cast %while3A_342 : i32 to index
        %swap3A_388 = arith.constant 0 : index
        %swap3A_389 = arith.constant 0 : index
        %swap3A_390 = vector.load %arg11[%swap3A_387, %swap3A_388, %swap3A_389] : memref<16x256x256xf32, #tpu.memory_space<vmem>>, vector<1x256x256xf32>
        %swap3A_391 = vector.shape_cast %swap3A_390 : vector<1x256x256xf32> to vector<256x256xf32>
        %swap3A_392 = vector.shape_cast %select_n3A_386 : vector<256x256xf32> to vector<1x256x256xf32>
        tpu.vector_store %arg11[%swap3A_387, %swap3A_388, %swap3A_389], %swap3A_392 {strides = array<i32>} : memref<16x256x256xf32, #tpu.memory_space<vmem>>, vector<1x256x256xf32>,
      }
      %broadcast_in_dim3A = arith.constant -3.000000e+38 : f32
      %broadcast_in_dim3A_135 = vector.broadcast %broadcast_in_dim3A : f32 to vector<256x1xf32>
      %broadcast_in_dim3A_136 = arith.constant 3.000000e+38 : f32
      %broadcast_in_dim3A_137 = vector.broadcast %broadcast_in_dim3A_136 : f32 to vector<256x1xf32>
      %while3A_138 = arith.subi %select_n3A_79, %select_n3A : i32
      %while3A_139 = arith.addi %select_n3A, %while3A_138 : i32
      %while3A_140 = arith.constant 1 : i32
      %while3A_141 = arith.divsi %while3A_138, %while3A_140 : i32
      %while3A_142 = arith.muli %while3A_141, %while3A_140 : i32
      %while3A_143 = arith.addi %select_n3A, %while3A_142 : i32
      %while3A_144 = arith.constant 1 : i32
      %while3A_145 = scf.for %while3A_342 = %select_n3A to %while3A_143 step %while3A_144 iter_args(%while3A_343 = %broadcast_in_dim3A_137) -> (vector<256x1xf32>)  : i32 {
        %get3A_344 = arith.index_cast %while3A_342 : i32 to index
        %get3A_345 = arith.constant 0 : index
        %get3A_346 = arith.constant 0 : index
        %get3A_347 = vector.load %arg11[%get3A_344, %get3A_345, %get3A_346] : memref<16x256x256xf32, #tpu.memory_space<vmem>>, vector<1x256x256xf32>
        %get3A_348 = vector.shape_cast %get3A_347 : vector<1x256x256xf32> to vector<256x256xf32>
        %gt3A = vector.broadcast %broadcast_in_dim3A_135 : vector<256x1xf32> to vector<256x256xf32>
        %gt3A_349 = arith.cmpf ogt, %get3A_348, %gt3A : vector<256x256xf32>
        %jit3A_350 = arith.constant 3.000000e+38 : f32
        %broadcast_in_dim3A_351 = vector.broadcast %jit3A_350 : f32 to vector<256x256xf32>
        %select_n3A_352 = arith.select %gt3A_349, %get3A_348, %broadcast_in_dim3A_351 : vector<256x256xi1>, vector<256x256xf32>
        %reduce_min3A_353 = arith.constant dense<0x7F800000> : vector<256xf32>
        %reduce_min3A_354 = vector.multi_reduction <minimumf>, %select_n3A_352, %reduce_min3A_353 [1] : vector<256x256xf32> to vector<256xf32>
        %broadcast_in_dim3A_355 = vector.shape_cast %reduce_min3A_354 : vector<256xf32> to vector<256x1xf32>
        %min3A_356 = arith.minimumf %while3A_343, %broadcast_in_dim3A_355 : vector<256x1xf32>
        scf.yield %min3A_356 : vector<256x1xf32>
      }
      %while3A_146 = arith.constant 1 : i32
      %while3A_147 = scf.for %while3A_342 = %while3A_143 to %while3A_139 step %while3A_146 iter_args(%while3A_343 = %while3A_145) -> (vector<256x1xf32>)  : i32 {
        %get3A_344 = arith.index_cast %while3A_342 : i32 to index
        %get3A_345 = arith.constant 0 : index
        %get3A_346 = arith.constant 0 : index
        %get3A_347 = vector.load %arg11[%get3A_344, %get3A_345, %get3A_346] : memref<16x256x256xf32, #tpu.memory_space<vmem>>, vector<1x256x256xf32>
        %get3A_348 = vector.shape_cast %get3A_347 : vector<1x256x256xf32> to vector<256x256xf32>
        %gt3A = vector.broadcast %broadcast_in_dim3A_135 : vector<256x1xf32> to vector<256x256xf32>
        %gt3A_349 = arith.cmpf ogt, %get3A_348, %gt3A : vector<256x256xf32>
        %jit3A_350 = arith.constant 3.000000e+38 : f32
        %broadcast_in_dim3A_351 = vector.broadcast %jit3A_350 : f32 to vector<256x256xf32>
        %select_n3A_352 = arith.select %gt3A_349, %get3A_348, %broadcast_in_dim3A_351 : vector<256x256xi1>, vector<256x256xf32>
        %reduce_min3A_353 = arith.constant dense<0x7F800000> : vector<256xf32>
        %reduce_min3A_354 = vector.multi_reduction <minimumf>, %select_n3A_352, %reduce_min3A_353 [1] : vector<256x256xf32> to vector<256xf32>
        %broadcast_in_dim3A_355 = vector.shape_cast %reduce_min3A_354 : vector<256xf32> to vector<256x1xf32>
        %min3A_356 = arith.minimumf %while3A_343, %broadcast_in_dim3A_355 : vector<256x1xf32>
        scf.yield %min3A_356 : vector<256x1xf32>
      }
      %broadcast_in_dim3A_148 = arith.constant 3.000000e+38 : f32
      %broadcast_in_dim3A_149 = vector.broadcast %broadcast_in_dim3A_148 : f32 to vector<256x1xf32>
      %while3A_150 = arith.subi %select_n3A_79, %select_n3A : i32
      %while3A_151 = arith.addi %select_n3A, %while3A_150 : i32
      %while3A_152 = arith.constant 1 : i32
      %while3A_153 = arith.divsi %while3A_150, %while3A_152 : i32
      %while3A_154 = arith.muli %while3A_153, %while3A_152 : i32
      %while3A_155 = arith.addi %select_n3A, %while3A_154 : i32
      %while3A_156 = arith.constant 1 : i32
      %while3A_157 = scf.for %while3A_342 = %select_n3A to %while3A_155 step %while3A_156 iter_args(%while3A_343 = %broadcast_in_dim3A_149) -> (vector<256x1xf32>)  : i32 {
        %get3A_344 = arith.index_cast %while3A_342 : i32 to index
        %get3A_345 = arith.constant 0 : index
        %get3A_346 = arith.constant 0 : index
        %get3A_347 = vector.load %arg11[%get3A_344, %get3A_345, %get3A_346] : memref<16x256x256xf32, #tpu.memory_space<vmem>>, vector<1x256x256xf32>
        %get3A_348 = vector.shape_cast %get3A_347 : vector<1x256x256xf32> to vector<256x256xf32>
        %gt3A = vector.broadcast %while3A_147 : vector<256x1xf32> to vector<256x256xf32>
        %gt3A_349 = arith.cmpf ogt, %get3A_348, %gt3A : vector<256x256xf32>
        %jit3A_350 = arith.constant 3.000000e+38 : f32
        %broadcast_in_dim3A_351 = vector.broadcast %jit3A_350 : f32 to vector<256x256xf32>
        %select_n3A_352 = arith.select %gt3A_349, %get3A_348, %broadcast_in_dim3A_351 : vector<256x256xi1>, vector<256x256xf32>
        %reduce_min3A_353 = arith.constant dense<0x7F800000> : vector<256xf32>
        %reduce_min3A_354 = vector.multi_reduction <minimumf>, %select_n3A_352, %reduce_min3A_353 [1] : vector<256x256xf32> to vector<256xf32>
        %broadcast_in_dim3A_355 = vector.shape_cast %reduce_min3A_354 : vector<256xf32> to vector<256x1xf32>
        %min3A_356 = arith.minimumf %while3A_343, %broadcast_in_dim3A_355 : vector<256x1xf32>
        scf.yield %min3A_356 : vector<256x1xf32>
      }
      %while3A_158 = arith.constant 1 : i32
      %while3A_159 = scf.for %while3A_342 = %while3A_155 to %while3A_151 step %while3A_158 iter_args(%while3A_343 = %while3A_157) -> (vector<256x1xf32>)  : i32 {
        %get3A_344 = arith.index_cast %while3A_342 : i32 to index
        %get3A_345 = arith.constant 0 : index
        %get3A_346 = arith.constant 0 : index
        %get3A_347 = vector.load %arg11[%get3A_344, %get3A_345, %get3A_346] : memref<16x256x256xf32, #tpu.memory_space<vmem>>, vector<1x256x256xf32>
        %get3A_348 = vector.shape_cast %get3A_347 : vector<1x256x256xf32> to vector<256x256xf32>
        %gt3A = vector.broadcast %while3A_147 : vector<256x1xf32> to vector<256x256xf32>
        %gt3A_349 = arith.cmpf ogt, %get3A_348, %gt3A : vector<256x256xf32>
        %jit3A_350 = arith.constant 3.000000e+38 : f32
        %broadcast_in_dim3A_351 = vector.broadcast %jit3A_350 : f32 to vector<256x256xf32>
        %select_n3A_352 = arith.select %gt3A_349, %get3A_348, %broadcast_in_dim3A_351 : vector<256x256xi1>, vector<256x256xf32>
        %reduce_min3A_353 = arith.constant dense<0x7F800000> : vector<256xf32>
        %reduce_min3A_354 = vector.multi_reduction <minimumf>, %select_n3A_352, %reduce_min3A_353 [1] : vector<256x256xf32> to vector<256xf32>
        %broadcast_in_dim3A_355 = vector.shape_cast %reduce_min3A_354 : vector<256xf32> to vector<256x1xf32>
        %min3A_356 = arith.minimumf %while3A_343, %broadcast_in_dim3A_355 : vector<256x1xf32>
        scf.yield %min3A_356 : vector<256x1xf32>
      }
      %broadcast_in_dim3A_160 = arith.constant 3.000000e+38 : f32
      %broadcast_in_dim3A_161 = vector.broadcast %broadcast_in_dim3A_160 : f32 to vector<256x1xf32>
      %while3A_162 = arith.subi %select_n3A_79, %select_n3A : i32
      %while3A_163 = arith.addi %select_n3A, %while3A_162 : i32
      %while3A_164 = arith.constant 1 : i32
      %while3A_165 = arith.divsi %while3A_162, %while3A_164 : i32
      %while3A_166 = arith.muli %while3A_165, %while3A_164 : i32
      %while3A_167 = arith.addi %select_n3A, %while3A_166 : i32
      %while3A_168 = arith.constant 1 : i32
      %while3A_169 = scf.for %while3A_342 = %select_n3A to %while3A_167 step %while3A_168 iter_args(%while3A_343 = %broadcast_in_dim3A_161) -> (vector<256x1xf32>)  : i32 {
        %get3A_344 = arith.index_cast %while3A_342 : i32 to index
        %get3A_345 = arith.constant 0 : index
        %get3A_346 = arith.constant 0 : index
        %get3A_347 = vector.load %arg11[%get3A_344, %get3A_345, %get3A_346] : memref<16x256x256xf32, #tpu.memory_space<vmem>>, vector<1x256x256xf32>
        %get3A_348 = vector.shape_cast %get3A_347 : vector<1x256x256xf32> to vector<256x256xf32>
        %gt3A = vector.broadcast %while3A_159 : vector<256x1xf32> to vector<256x256xf32>
        %gt3A_349 = arith.cmpf ogt, %get3A_348, %gt3A : vector<256x256xf32>
        %jit3A_350 = arith.constant 3.000000e+38 : f32
        %broadcast_in_dim3A_351 = vector.broadcast %jit3A_350 : f32 to vector<256x256xf32>
        %select_n3A_352 = arith.select %gt3A_349, %get3A_348, %broadcast_in_dim3A_351 : vector<256x256xi1>, vector<256x256xf32>
        %reduce_min3A_353 = arith.constant dense<0x7F800000> : vector<256xf32>
        %reduce_min3A_354 = vector.multi_reduction <minimumf>, %select_n3A_352, %reduce_min3A_353 [1] : vector<256x256xf32> to vector<256xf32>
        %broadcast_in_dim3A_355 = vector.shape_cast %reduce_min3A_354 : vector<256xf32> to vector<256x1xf32>
        %min3A_356 = arith.minimumf %while3A_343, %broadcast_in_dim3A_355 : vector<256x1xf32>
        scf.yield %min3A_356 : vector<256x1xf32>
      }
      %while3A_170 = arith.constant 1 : i32
      %while3A_171 = scf.for %while3A_342 = %while3A_167 to %while3A_163 step %while3A_170 iter_args(%while3A_343 = %while3A_169) -> (vector<256x1xf32>)  : i32 {
        %get3A_344 = arith.index_cast %while3A_342 : i32 to index
        %get3A_345 = arith.constant 0 : index
        %get3A_346 = arith.constant 0 : index
        %get3A_347 = vector.load %arg11[%get3A_344, %get3A_345, %get3A_346] : memref<16x256x256xf32, #tpu.memory_space<vmem>>, vector<1x256x256xf32>
        %get3A_348 = vector.shape_cast %get3A_347 : vector<1x256x256xf32> to vector<256x256xf32>
        %gt3A = vector.broadcast %while3A_159 : vector<256x1xf32> to vector<256x256xf32>
        %gt3A_349 = arith.cmpf ogt, %get3A_348, %gt3A : vector<256x256xf32>
        %jit3A_350 = arith.constant 3.000000e+38 : f32
        %broadcast_in_dim3A_351 = vector.broadcast %jit3A_350 : f32 to vector<256x256xf32>
        %select_n3A_352 = arith.select %gt3A_349, %get3A_348, %broadcast_in_dim3A_351 : vector<256x256xi1>, vector<256x256xf32>
        %reduce_min3A_353 = arith.constant dense<0x7F800000> : vector<256xf32>
        %reduce_min3A_354 = vector.multi_reduction <minimumf>, %select_n3A_352, %reduce_min3A_353 [1] : vector<256x256xf32> to vector<256xf32>
        %broadcast_in_dim3A_355 = vector.shape_cast %reduce_min3A_354 : vector<256xf32> to vector<256x1xf32>
        %min3A_356 = arith.minimumf %while3A_343, %broadcast_in_dim3A_355 : vector<256x1xf32>
        scf.yield %min3A_356 : vector<256x1xf32>
      }
      %broadcast_in_dim3A_172 = arith.constant 3.000000e+38 : f32
      %broadcast_in_dim3A_173 = vector.broadcast %broadcast_in_dim3A_172 : f32 to vector<256x1xf32>
      %while3A_174 = arith.subi %select_n3A_79, %select_n3A : i32
      %while3A_175 = arith.addi %select_n3A, %while3A_174 : i32
      %while3A_176 = arith.constant 1 : i32
      %while3A_177 = arith.divsi %while3A_174, %while3A_176 : i32
      %while3A_178 = arith.muli %while3A_177, %while3A_176 : i32
      %while3A_179 = arith.addi %select_n3A, %while3A_178 : i32
      %while3A_180 = arith.constant 1 : i32
      %while3A_181 = scf.for %while3A_342 = %select_n3A to %while3A_179 step %while3A_180 iter_args(%while3A_343 = %broadcast_in_dim3A_173) -> (vector<256x1xf32>)  : i32 {
        %get3A_344 = arith.index_cast %while3A_342 : i32 to index
        %get3A_345 = arith.constant 0 : index
        %get3A_346 = arith.constant 0 : index
        %get3A_347 = vector.load %arg11[%get3A_344, %get3A_345, %get3A_346] : memref<16x256x256xf32, #tpu.memory_space<vmem>>, vector<1x256x256xf32>
        %get3A_348 = vector.shape_cast %get3A_347 : vector<1x256x256xf32> to vector<256x256xf32>
        %gt3A = vector.broadcast %while3A_171 : vector<256x1xf32> to vector<256x256xf32>
        %gt3A_349 = arith.cmpf ogt, %get3A_348, %gt3A : vector<256x256xf32>
        %jit3A_350 = arith.constant 3.000000e+38 : f32
        %broadcast_in_dim3A_351 = vector.broadcast %jit3A_350 : f32 to vector<256x256xf32>
        %select_n3A_352 = arith.select %gt3A_349, %get3A_348, %broadcast_in_dim3A_351 : vector<256x256xi1>, vector<256x256xf32>
        %reduce_min3A_353 = arith.constant dense<0x7F800000> : vector<256xf32>
        %reduce_min3A_354 = vector.multi_reduction <minimumf>, %select_n3A_352, %reduce_min3A_353 [1] : vector<256x256xf32> to vector<256xf32>
        %broadcast_in_dim3A_355 = vector.shape_cast %reduce_min3A_354 : vector<256xf32> to vector<256x1xf32>
        %min3A_356 = arith.minimumf %while3A_343, %broadcast_in_dim3A_355 : vector<256x1xf32>
        scf.yield %min3A_356 : vector<256x1xf32>
      }
      %while3A_182 = arith.constant 1 : i32
      %while3A_183 = scf.for %while3A_342 = %while3A_179 to %while3A_175 step %while3A_182 iter_args(%while3A_343 = %while3A_181) -> (vector<256x1xf32>)  : i32 {
        %get3A_344 = arith.index_cast %while3A_342 : i32 to index
        %get3A_345 = arith.constant 0 : index
        %get3A_346 = arith.constant 0 : index
        %get3A_347 = vector.load %arg11[%get3A_344, %get3A_345, %get3A_346] : memref<16x256x256xf32, #tpu.memory_space<vmem>>, vector<1x256x256xf32>
        %get3A_348 = vector.shape_cast %get3A_347 : vector<1x256x256xf32> to vector<256x256xf32>
        %gt3A = vector.broadcast %while3A_171 : vector<256x1xf32> to vector<256x256xf32>
        %gt3A_349 = arith.cmpf ogt, %get3A_348, %gt3A : vector<256x256xf32>
        %jit3A_350 = arith.constant 3.000000e+38 : f32
        %broadcast_in_dim3A_351 = vector.broadcast %jit3A_350 : f32 to vector<256x256xf32>
        %select_n3A_352 = arith.select %gt3A_349, %get3A_348, %broadcast_in_dim3A_351 : vector<256x256xi1>, vector<256x256xf32>
        %reduce_min3A_353 = arith.constant dense<0x7F800000> : vector<256xf32>
        %reduce_min3A_354 = vector.multi_reduction <minimumf>, %select_n3A_352, %reduce_min3A_353 [1] : vector<256x256xf32> to vector<256xf32>
        %broadcast_in_dim3A_355 = vector.shape_cast %reduce_min3A_354 : vector<256xf32> to vector<256x1xf32>
        %min3A_356 = arith.minimumf %while3A_343, %broadcast_in_dim3A_355 : vector<256x1xf32>
        scf.yield %min3A_356 : vector<256x1xf32>
      }
      %broadcast_in_dim3A_184 = arith.constant 3.000000e+38 : f32
      %broadcast_in_dim3A_185 = vector.broadcast %broadcast_in_dim3A_184 : f32 to vector<256x1xf32>
      %while3A_186 = arith.subi %select_n3A_79, %select_n3A : i32
      %while3A_187 = arith.addi %select_n3A, %while3A_186 : i32
      %while3A_188 = arith.constant 1 : i32
      %while3A_189 = arith.divsi %while3A_186, %while3A_188 : i32
      %while3A_190 = arith.muli %while3A_189, %while3A_188 : i32
      %while3A_191 = arith.addi %select_n3A, %while3A_190 : i32
      %while3A_192 = arith.constant 1 : i32
      %while3A_193 = scf.for %while3A_342 = %select_n3A to %while3A_191 step %while3A_192 iter_args(%while3A_343 = %broadcast_in_dim3A_185) -> (vector<256x1xf32>)  : i32 {
        %get3A_344 = arith.index_cast %while3A_342 : i32 to index
        %get3A_345 = arith.constant 0 : index
        %get3A_346 = arith.constant 0 : index
        %get3A_347 = vector.load %arg11[%get3A_344, %get3A_345, %get3A_346] : memref<16x256x256xf32, #tpu.memory_space<vmem>>, vector<1x256x256xf32>
        %get3A_348 = vector.shape_cast %get3A_347 : vector<1x256x256xf32> to vector<256x256xf32>
        %gt3A = vector.broadcast %while3A_183 : vector<256x1xf32> to vector<256x256xf32>
        %gt3A_349 = arith.cmpf ogt, %get3A_348, %gt3A : vector<256x256xf32>
        %jit3A_350 = arith.constant 3.000000e+38 : f32
        %broadcast_in_dim3A_351 = vector.broadcast %jit3A_350 : f32 to vector<256x256xf32>
        %select_n3A_352 = arith.select %gt3A_349, %get3A_348, %broadcast_in_dim3A_351 : vector<256x256xi1>, vector<256x256xf32>
        %reduce_min3A_353 = arith.constant dense<0x7F800000> : vector<256xf32>
        %reduce_min3A_354 = vector.multi_reduction <minimumf>, %select_n3A_352, %reduce_min3A_353 [1] : vector<256x256xf32> to vector<256xf32>
        %broadcast_in_dim3A_355 = vector.shape_cast %reduce_min3A_354 : vector<256xf32> to vector<256x1xf32>
        %min3A_356 = arith.minimumf %while3A_343, %broadcast_in_dim3A_355 : vector<256x1xf32>
        scf.yield %min3A_356 : vector<256x1xf32>
      }
      %while3A_194 = arith.constant 1 : i32
      %while3A_195 = scf.for %while3A_342 = %while3A_191 to %while3A_187 step %while3A_194 iter_args(%while3A_343 = %while3A_193) -> (vector<256x1xf32>)  : i32 {
        %get3A_344 = arith.index_cast %while3A_342 : i32 to index
        %get3A_345 = arith.constant 0 : index
        %get3A_346 = arith.constant 0 : index
        %get3A_347 = vector.load %arg11[%get3A_344, %get3A_345, %get3A_346] : memref<16x256x256xf32, #tpu.memory_space<vmem>>, vector<1x256x256xf32>
        %get3A_348 = vector.shape_cast %get3A_347 : vector<1x256x256xf32> to vector<256x256xf32>
        %gt3A = vector.broadcast %while3A_183 : vector<256x1xf32> to vector<256x256xf32>
        %gt3A_349 = arith.cmpf ogt, %get3A_348, %gt3A : vector<256x256xf32>
        %jit3A_350 = arith.constant 3.000000e+38 : f32
        %broadcast_in_dim3A_351 = vector.broadcast %jit3A_350 : f32 to vector<256x256xf32>
        %select_n3A_352 = arith.select %gt3A_349, %get3A_348, %broadcast_in_dim3A_351 : vector<256x256xi1>, vector<256x256xf32>
        %reduce_min3A_353 = arith.constant dense<0x7F800000> : vector<256xf32>
        %reduce_min3A_354 = vector.multi_reduction <minimumf>, %select_n3A_352, %reduce_min3A_353 [1] : vector<256x256xf32> to vector<256xf32>
        %broadcast_in_dim3A_355 = vector.shape_cast %reduce_min3A_354 : vector<256xf32> to vector<256x1xf32>
        %min3A_356 = arith.minimumf %while3A_343, %broadcast_in_dim3A_355 : vector<256x1xf32>
        scf.yield %min3A_356 : vector<256x1xf32>
      }
      %broadcast_in_dim3A_196 = arith.constant 3.000000e+38 : f32
      %broadcast_in_dim3A_197 = vector.broadcast %broadcast_in_dim3A_196 : f32 to vector<256x1xf32>
      %while3A_198 = arith.subi %select_n3A_79, %select_n3A : i32
      %while3A_199 = arith.addi %select_n3A, %while3A_198 : i32
      %while3A_200 = arith.constant 1 : i32
      %while3A_201 = arith.divsi %while3A_198, %while3A_200 : i32
      %while3A_202 = arith.muli %while3A_201, %while3A_200 : i32
      %while3A_203 = arith.addi %select_n3A, %while3A_202 : i32
      %while3A_204 = arith.constant 1 : i32
      %while3A_205 = scf.for %while3A_342 = %select_n3A to %while3A_203 step %while3A_204 iter_args(%while3A_343 = %broadcast_in_dim3A_197) -> (vector<256x1xf32>)  : i32 {
        %get3A_344 = arith.index_cast %while3A_342 : i32 to index
        %get3A_345 = arith.constant 0 : index
        %get3A_346 = arith.constant 0 : index
        %get3A_347 = vector.load %arg11[%get3A_344, %get3A_345, %get3A_346] : memref<16x256x256xf32, #tpu.memory_space<vmem>>, vector<1x256x256xf32>
        %get3A_348 = vector.shape_cast %get3A_347 : vector<1x256x256xf32> to vector<256x256xf32>
        %gt3A = vector.broadcast %while3A_195 : vector<256x1xf32> to vector<256x256xf32>
        %gt3A_349 = arith.cmpf ogt, %get3A_348, %gt3A : vector<256x256xf32>
        %jit3A_350 = arith.constant 3.000000e+38 : f32
        %broadcast_in_dim3A_351 = vector.broadcast %jit3A_350 : f32 to vector<256x256xf32>
        %select_n3A_352 = arith.select %gt3A_349, %get3A_348, %broadcast_in_dim3A_351 : vector<256x256xi1>, vector<256x256xf32>
        %reduce_min3A_353 = arith.constant dense<0x7F800000> : vector<256xf32>
        %reduce_min3A_354 = vector.multi_reduction <minimumf>, %select_n3A_352, %reduce_min3A_353 [1] : vector<256x256xf32> to vector<256xf32>
        %broadcast_in_dim3A_355 = vector.shape_cast %reduce_min3A_354 : vector<256xf32> to vector<256x1xf32>
        %min3A_356 = arith.minimumf %while3A_343, %broadcast_in_dim3A_355 : vector<256x1xf32>
        scf.yield %min3A_356 : vector<256x1xf32>
      }
      %while3A_206 = arith.constant 1 : i32
      %while3A_207 = scf.for %while3A_342 = %while3A_203 to %while3A_199 step %while3A_206 iter_args(%while3A_343 = %while3A_205) -> (vector<256x1xf32>)  : i32 {
        %get3A_344 = arith.index_cast %while3A_342 : i32 to index
        %get3A_345 = arith.constant 0 : index
        %get3A_346 = arith.constant 0 : index
        %get3A_347 = vector.load %arg11[%get3A_344, %get3A_345, %get3A_346] : memref<16x256x256xf32, #tpu.memory_space<vmem>>, vector<1x256x256xf32>
        %get3A_348 = vector.shape_cast %get3A_347 : vector<1x256x256xf32> to vector<256x256xf32>
        %gt3A = vector.broadcast %while3A_195 : vector<256x1xf32> to vector<256x256xf32>
        %gt3A_349 = arith.cmpf ogt, %get3A_348, %gt3A : vector<256x256xf32>
        %jit3A_350 = arith.constant 3.000000e+38 : f32
        %broadcast_in_dim3A_351 = vector.broadcast %jit3A_350 : f32 to vector<256x256xf32>
        %select_n3A_352 = arith.select %gt3A_349, %get3A_348, %broadcast_in_dim3A_351 : vector<256x256xi1>, vector<256x256xf32>
        %reduce_min3A_353 = arith.constant dense<0x7F800000> : vector<256xf32>
        %reduce_min3A_354 = vector.multi_reduction <minimumf>, %select_n3A_352, %reduce_min3A_353 [1] : vector<256x256xf32> to vector<256xf32>
        %broadcast_in_dim3A_355 = vector.shape_cast %reduce_min3A_354 : vector<256xf32> to vector<256x1xf32>
        %min3A_356 = arith.minimumf %while3A_343, %broadcast_in_dim3A_355 : vector<256x1xf32>
        scf.yield %min3A_356 : vector<256x1xf32>
      }
      %broadcast_in_dim3A_208 = arith.constant 3.000000e+38 : f32
      %broadcast_in_dim3A_209 = vector.broadcast %broadcast_in_dim3A_208 : f32 to vector<256x1xf32>
      %while3A_210 = arith.subi %select_n3A_79, %select_n3A : i32
      %while3A_211 = arith.addi %select_n3A, %while3A_210 : i32
      %while3A_212 = arith.constant 1 : i32
      %while3A_213 = arith.divsi %while3A_210, %while3A_212 : i32
      %while3A_214 = arith.muli %while3A_213, %while3A_212 : i32
      %while3A_215 = arith.addi %select_n3A, %while3A_214 : i32
      %while3A_216 = arith.constant 1 : i32
      %while3A_217 = scf.for %while3A_342 = %select_n3A to %while3A_215 step %while3A_216 iter_args(%while3A_343 = %broadcast_in_dim3A_209) -> (vector<256x1xf32>)  : i32 {
        %get3A_344 = arith.index_cast %while3A_342 : i32 to index
        %get3A_345 = arith.constant 0 : index
        %get3A_346 = arith.constant 0 : index
        %get3A_347 = vector.load %arg11[%get3A_344, %get3A_345, %get3A_346] : memref<16x256x256xf32, #tpu.memory_space<vmem>>, vector<1x256x256xf32>
        %get3A_348 = vector.shape_cast %get3A_347 : vector<1x256x256xf32> to vector<256x256xf32>
        %gt3A = vector.broadcast %while3A_207 : vector<256x1xf32> to vector<256x256xf32>
        %gt3A_349 = arith.cmpf ogt, %get3A_348, %gt3A : vector<256x256xf32>
        %jit3A_350 = arith.constant 3.000000e+38 : f32
        %broadcast_in_dim3A_351 = vector.broadcast %jit3A_350 : f32 to vector<256x256xf32>
        %select_n3A_352 = arith.select %gt3A_349, %get3A_348, %broadcast_in_dim3A_351 : vector<256x256xi1>, vector<256x256xf32>
        %reduce_min3A_353 = arith.constant dense<0x7F800000> : vector<256xf32>
        %reduce_min3A_354 = vector.multi_reduction <minimumf>, %select_n3A_352, %reduce_min3A_353 [1] : vector<256x256xf32> to vector<256xf32>
        %broadcast_in_dim3A_355 = vector.shape_cast %reduce_min3A_354 : vector<256xf32> to vector<256x1xf32>
        %min3A_356 = arith.minimumf %while3A_343, %broadcast_in_dim3A_355 : vector<256x1xf32>
        scf.yield %min3A_356 : vector<256x1xf32>
      }
      %while3A_218 = arith.constant 1 : i32
      %while3A_219 = scf.for %while3A_342 = %while3A_215 to %while3A_211 step %while3A_218 iter_args(%while3A_343 = %while3A_217) -> (vector<256x1xf32>)  : i32 {
        %get3A_344 = arith.index_cast %while3A_342 : i32 to index
        %get3A_345 = arith.constant 0 : index
        %get3A_346 = arith.constant 0 : index
        %get3A_347 = vector.load %arg11[%get3A_344, %get3A_345, %get3A_346] : memref<16x256x256xf32, #tpu.memory_space<vmem>>, vector<1x256x256xf32>
        %get3A_348 = vector.shape_cast %get3A_347 : vector<1x256x256xf32> to vector<256x256xf32>
        %gt3A = vector.broadcast %while3A_207 : vector<256x1xf32> to vector<256x256xf32>
        %gt3A_349 = arith.cmpf ogt, %get3A_348, %gt3A : vector<256x256xf32>
        %jit3A_350 = arith.constant 3.000000e+38 : f32
        %broadcast_in_dim3A_351 = vector.broadcast %jit3A_350 : f32 to vector<256x256xf32>
        %select_n3A_352 = arith.select %gt3A_349, %get3A_348, %broadcast_in_dim3A_351 : vector<256x256xi1>, vector<256x256xf32>
        %reduce_min3A_353 = arith.constant dense<0x7F800000> : vector<256xf32>
        %reduce_min3A_354 = vector.multi_reduction <minimumf>, %select_n3A_352, %reduce_min3A_353 [1] : vector<256x256xf32> to vector<256xf32>
        %broadcast_in_dim3A_355 = vector.shape_cast %reduce_min3A_354 : vector<256xf32> to vector<256x1xf32>
        %min3A_356 = arith.minimumf %while3A_343, %broadcast_in_dim3A_355 : vector<256x1xf32>
        scf.yield %min3A_356 : vector<256x1xf32>
      }
      %broadcast_in_dim3A_220 = arith.constant 3.000000e+38 : f32
      %broadcast_in_dim3A_221 = vector.broadcast %broadcast_in_dim3A_220 : f32 to vector<256x1xf32>
      %while3A_222 = arith.subi %select_n3A_79, %select_n3A : i32
      %while3A_223 = arith.addi %select_n3A, %while3A_222 : i32
      %while3A_224 = arith.constant 1 : i32
      %while3A_225 = arith.divsi %while3A_222, %while3A_224 : i32
      %while3A_226 = arith.muli %while3A_225, %while3A_224 : i32
      %while3A_227 = arith.addi %select_n3A, %while3A_226 : i32
      %while3A_228 = arith.constant 1 : i32
      %while3A_229 = scf.for %while3A_342 = %select_n3A to %while3A_227 step %while3A_228 iter_args(%while3A_343 = %broadcast_in_dim3A_221) -> (vector<256x1xf32>)  : i32 {
        %get3A_344 = arith.index_cast %while3A_342 : i32 to index
        %get3A_345 = arith.constant 0 : index
        %get3A_346 = arith.constant 0 : index
        %get3A_347 = vector.load %arg11[%get3A_344, %get3A_345, %get3A_346] : memref<16x256x256xf32, #tpu.memory_space<vmem>>, vector<1x256x256xf32>
        %get3A_348 = vector.shape_cast %get3A_347 : vector<1x256x256xf32> to vector<256x256xf32>
        %gt3A = vector.broadcast %while3A_219 : vector<256x1xf32> to vector<256x256xf32>
        %gt3A_349 = arith.cmpf ogt, %get3A_348, %gt3A : vector<256x256xf32>
        %jit3A_350 = arith.constant 3.000000e+38 : f32
        %broadcast_in_dim3A_351 = vector.broadcast %jit3A_350 : f32 to vector<256x256xf32>
        %select_n3A_352 = arith.select %gt3A_349, %get3A_348, %broadcast_in_dim3A_351 : vector<256x256xi1>, vector<256x256xf32>
        %reduce_min3A_353 = arith.constant dense<0x7F800000> : vector<256xf32>
        %reduce_min3A_354 = vector.multi_reduction <minimumf>, %select_n3A_352, %reduce_min3A_353 [1] : vector<256x256xf32> to vector<256xf32>
        %broadcast_in_dim3A_355 = vector.shape_cast %reduce_min3A_354 : vector<256xf32> to vector<256x1xf32>
        %min3A_356 = arith.minimumf %while3A_343, %broadcast_in_dim3A_355 : vector<256x1xf32>
        scf.yield %min3A_356 : vector<256x1xf32>
      }
      %while3A_230 = arith.constant 1 : i32
      %while3A_231 = scf.for %while3A_342 = %while3A_227 to %while3A_223 step %while3A_230 iter_args(%while3A_343 = %while3A_229) -> (vector<256x1xf32>)  : i32 {
        %get3A_344 = arith.index_cast %while3A_342 : i32 to index
        %get3A_345 = arith.constant 0 : index
        %get3A_346 = arith.constant 0 : index
        %get3A_347 = vector.load %arg11[%get3A_344, %get3A_345, %get3A_346] : memref<16x256x256xf32, #tpu.memory_space<vmem>>, vector<1x256x256xf32>
        %get3A_348 = vector.shape_cast %get3A_347 : vector<1x256x256xf32> to vector<256x256xf32>
        %gt3A = vector.broadcast %while3A_219 : vector<256x1xf32> to vector<256x256xf32>
        %gt3A_349 = arith.cmpf ogt, %get3A_348, %gt3A : vector<256x256xf32>
        %jit3A_350 = arith.constant 3.000000e+38 : f32
        %broadcast_in_dim3A_351 = vector.broadcast %jit3A_350 : f32 to vector<256x256xf32>
        %select_n3A_352 = arith.select %gt3A_349, %get3A_348, %broadcast_in_dim3A_351 : vector<256x256xi1>, vector<256x256xf32>
        %reduce_min3A_353 = arith.constant dense<0x7F800000> : vector<256xf32>
        %reduce_min3A_354 = vector.multi_reduction <minimumf>, %select_n3A_352, %reduce_min3A_353 [1] : vector<256x256xf32> to vector<256xf32>
        %broadcast_in_dim3A_355 = vector.shape_cast %reduce_min3A_354 : vector<256xf32> to vector<256x1xf32>
        %min3A_356 = arith.minimumf %while3A_343, %broadcast_in_dim3A_355 : vector<256x1xf32>
        scf.yield %min3A_356 : vector<256x1xf32>
      }
      %broadcast_in_dim3A_232 = arith.constant 3.000000e+38 : f32
      %broadcast_in_dim3A_233 = vector.broadcast %broadcast_in_dim3A_232 : f32 to vector<256x1xf32>
      %while3A_234 = arith.subi %select_n3A_79, %select_n3A : i32
      %while3A_235 = arith.addi %select_n3A, %while3A_234 : i32
      %while3A_236 = arith.constant 1 : i32
      %while3A_237 = arith.divsi %while3A_234, %while3A_236 : i32
      %while3A_238 = arith.muli %while3A_237, %while3A_236 : i32
      %while3A_239 = arith.addi %select_n3A, %while3A_238 : i32
      %while3A_240 = arith.constant 1 : i32
      %while3A_241 = scf.for %while3A_342 = %select_n3A to %while3A_239 step %while3A_240 iter_args(%while3A_343 = %broadcast_in_dim3A_233) -> (vector<256x1xf32>)  : i32 {
        %get3A_344 = arith.index_cast %while3A_342 : i32 to index
        %get3A_345 = arith.constant 0 : index
        %get3A_346 = arith.constant 0 : index
        %get3A_347 = vector.load %arg11[%get3A_344, %get3A_345, %get3A_346] : memref<16x256x256xf32, #tpu.memory_space<vmem>>, vector<1x256x256xf32>
        %get3A_348 = vector.shape_cast %get3A_347 : vector<1x256x256xf32> to vector<256x256xf32>
        %gt3A = vector.broadcast %while3A_231 : vector<256x1xf32> to vector<256x256xf32>
        %gt3A_349 = arith.cmpf ogt, %get3A_348, %gt3A : vector<256x256xf32>
        %jit3A_350 = arith.constant 3.000000e+38 : f32
        %broadcast_in_dim3A_351 = vector.broadcast %jit3A_350 : f32 to vector<256x256xf32>
        %select_n3A_352 = arith.select %gt3A_349, %get3A_348, %broadcast_in_dim3A_351 : vector<256x256xi1>, vector<256x256xf32>
        %reduce_min3A_353 = arith.constant dense<0x7F800000> : vector<256xf32>
        %reduce_min3A_354 = vector.multi_reduction <minimumf>, %select_n3A_352, %reduce_min3A_353 [1] : vector<256x256xf32> to vector<256xf32>
        %broadcast_in_dim3A_355 = vector.shape_cast %reduce_min3A_354 : vector<256xf32> to vector<256x1xf32>
        %min3A_356 = arith.minimumf %while3A_343, %broadcast_in_dim3A_355 : vector<256x1xf32>
        scf.yield %min3A_356 : vector<256x1xf32>
      }
      %while3A_242 = arith.constant 1 : i32
      %while3A_243 = scf.for %while3A_342 = %while3A_239 to %while3A_235 step %while3A_242 iter_args(%while3A_343 = %while3A_241) -> (vector<256x1xf32>)  : i32 {
        %get3A_344 = arith.index_cast %while3A_342 : i32 to index
        %get3A_345 = arith.constant 0 : index
        %get3A_346 = arith.constant 0 : index
        %get3A_347 = vector.load %arg11[%get3A_344, %get3A_345, %get3A_346] : memref<16x256x256xf32, #tpu.memory_space<vmem>>, vector<1x256x256xf32>
        %get3A_348 = vector.shape_cast %get3A_347 : vector<1x256x256xf32> to vector<256x256xf32>
        %gt3A = vector.broadcast %while3A_231 : vector<256x1xf32> to vector<256x256xf32>
        %gt3A_349 = arith.cmpf ogt, %get3A_348, %gt3A : vector<256x256xf32>
        %jit3A_350 = arith.constant 3.000000e+38 : f32
        %broadcast_in_dim3A_351 = vector.broadcast %jit3A_350 : f32 to vector<256x256xf32>
        %select_n3A_352 = arith.select %gt3A_349, %get3A_348, %broadcast_in_dim3A_351 : vector<256x256xi1>, vector<256x256xf32>
        %reduce_min3A_353 = arith.constant dense<0x7F800000> : vector<256xf32>
        %reduce_min3A_354 = vector.multi_reduction <minimumf>, %select_n3A_352, %reduce_min3A_353 [1] : vector<256x256xf32> to vector<256xf32>
        %broadcast_in_dim3A_355 = vector.shape_cast %reduce_min3A_354 : vector<256xf32> to vector<256x1xf32>
        %min3A_356 = arith.minimumf %while3A_343, %broadcast_in_dim3A_355 : vector<256x1xf32>
        scf.yield %min3A_356 : vector<256x1xf32>
      }
      %broadcast_in_dim3A_244 = arith.constant 3.000000e+38 : f32
      %broadcast_in_dim3A_245 = vector.broadcast %broadcast_in_dim3A_244 : f32 to vector<256x1xf32>
      %while3A_246 = arith.subi %select_n3A_79, %select_n3A : i32
      %while3A_247 = arith.addi %select_n3A, %while3A_246 : i32
      %while3A_248 = arith.constant 1 : i32
      %while3A_249 = arith.divsi %while3A_246, %while3A_248 : i32
      %while3A_250 = arith.muli %while3A_249, %while3A_248 : i32
      %while3A_251 = arith.addi %select_n3A, %while3A_250 : i32
      %while3A_252 = arith.constant 1 : i32
      %while3A_253 = scf.for %while3A_342 = %select_n3A to %while3A_251 step %while3A_252 iter_args(%while3A_343 = %broadcast_in_dim3A_245) -> (vector<256x1xf32>)  : i32 {
        %get3A_344 = arith.index_cast %while3A_342 : i32 to index
        %get3A_345 = arith.constant 0 : index
        %get3A_346 = arith.constant 0 : index
        %get3A_347 = vector.load %arg11[%get3A_344, %get3A_345, %get3A_346] : memref<16x256x256xf32, #tpu.memory_space<vmem>>, vector<1x256x256xf32>
        %get3A_348 = vector.shape_cast %get3A_347 : vector<1x256x256xf32> to vector<256x256xf32>
        %gt3A = vector.broadcast %while3A_243 : vector<256x1xf32> to vector<256x256xf32>
        %gt3A_349 = arith.cmpf ogt, %get3A_348, %gt3A : vector<256x256xf32>
        %jit3A_350 = arith.constant 3.000000e+38 : f32
        %broadcast_in_dim3A_351 = vector.broadcast %jit3A_350 : f32 to vector<256x256xf32>
        %select_n3A_352 = arith.select %gt3A_349, %get3A_348, %broadcast_in_dim3A_351 : vector<256x256xi1>, vector<256x256xf32>
        %reduce_min3A_353 = arith.constant dense<0x7F800000> : vector<256xf32>
        %reduce_min3A_354 = vector.multi_reduction <minimumf>, %select_n3A_352, %reduce_min3A_353 [1] : vector<256x256xf32> to vector<256xf32>
        %broadcast_in_dim3A_355 = vector.shape_cast %reduce_min3A_354 : vector<256xf32> to vector<256x1xf32>
        %min3A_356 = arith.minimumf %while3A_343, %broadcast_in_dim3A_355 : vector<256x1xf32>
        scf.yield %min3A_356 : vector<256x1xf32>
      }
      %while3A_254 = arith.constant 1 : i32
      %while3A_255 = scf.for %while3A_342 = %while3A_251 to %while3A_247 step %while3A_254 iter_args(%while3A_343 = %while3A_253) -> (vector<256x1xf32>)  : i32 {
        %get3A_344 = arith.index_cast %while3A_342 : i32 to index
        %get3A_345 = arith.constant 0 : index
        %get3A_346 = arith.constant 0 : index
        %get3A_347 = vector.load %arg11[%get3A_344, %get3A_345, %get3A_346] : memref<16x256x256xf32, #tpu.memory_space<vmem>>, vector<1x256x256xf32>
        %get3A_348 = vector.shape_cast %get3A_347 : vector<1x256x256xf32> to vector<256x256xf32>
        %gt3A = vector.broadcast %while3A_243 : vector<256x1xf32> to vector<256x256xf32>
        %gt3A_349 = arith.cmpf ogt, %get3A_348, %gt3A : vector<256x256xf32>
        %jit3A_350 = arith.constant 3.000000e+38 : f32
        %broadcast_in_dim3A_351 = vector.broadcast %jit3A_350 : f32 to vector<256x256xf32>
        %select_n3A_352 = arith.select %gt3A_349, %get3A_348, %broadcast_in_dim3A_351 : vector<256x256xi1>, vector<256x256xf32>
        %reduce_min3A_353 = arith.constant dense<0x7F800000> : vector<256xf32>
        %reduce_min3A_354 = vector.multi_reduction <minimumf>, %select_n3A_352, %reduce_min3A_353 [1] : vector<256x256xf32> to vector<256xf32>
        %broadcast_in_dim3A_355 = vector.shape_cast %reduce_min3A_354 : vector<256xf32> to vector<256x1xf32>
        %min3A_356 = arith.minimumf %while3A_343, %broadcast_in_dim3A_355 : vector<256x1xf32>
        scf.yield %min3A_356 : vector<256x1xf32>
      }
      %broadcast_in_dim3A_256 = arith.constant 3.000000e+38 : f32
      %broadcast_in_dim3A_257 = vector.broadcast %broadcast_in_dim3A_256 : f32 to vector<256x1xf32>
      %while3A_258 = arith.subi %select_n3A_79, %select_n3A : i32
      %while3A_259 = arith.addi %select_n3A, %while3A_258 : i32
      %while3A_260 = arith.constant 1 : i32
      %while3A_261 = arith.divsi %while3A_258, %while3A_260 : i32
      %while3A_262 = arith.muli %while3A_261, %while3A_260 : i32
      %while3A_263 = arith.addi %select_n3A, %while3A_262 : i32
      %while3A_264 = arith.constant 1 : i32
      %while3A_265 = scf.for %while3A_342 = %select_n3A to %while3A_263 step %while3A_264 iter_args(%while3A_343 = %broadcast_in_dim3A_257) -> (vector<256x1xf32>)  : i32 {
        %get3A_344 = arith.index_cast %while3A_342 : i32 to index
        %get3A_345 = arith.constant 0 : index
        %get3A_346 = arith.constant 0 : index
        %get3A_347 = vector.load %arg11[%get3A_344, %get3A_345, %get3A_346] : memref<16x256x256xf32, #tpu.memory_space<vmem>>, vector<1x256x256xf32>
        %get3A_348 = vector.shape_cast %get3A_347 : vector<1x256x256xf32> to vector<256x256xf32>
        %gt3A = vector.broadcast %while3A_255 : vector<256x1xf32> to vector<256x256xf32>
        %gt3A_349 = arith.cmpf ogt, %get3A_348, %gt3A : vector<256x256xf32>
        %jit3A_350 = arith.constant 3.000000e+38 : f32
        %broadcast_in_dim3A_351 = vector.broadcast %jit3A_350 : f32 to vector<256x256xf32>
        %select_n3A_352 = arith.select %gt3A_349, %get3A_348, %broadcast_in_dim3A_351 : vector<256x256xi1>, vector<256x256xf32>
        %reduce_min3A_353 = arith.constant dense<0x7F800000> : vector<256xf32>
        %reduce_min3A_354 = vector.multi_reduction <minimumf>, %select_n3A_352, %reduce_min3A_353 [1] : vector<256x256xf32> to vector<256xf32>
        %broadcast_in_dim3A_355 = vector.shape_cast %reduce_min3A_354 : vector<256xf32> to vector<256x1xf32>
        %min3A_356 = arith.minimumf %while3A_343, %broadcast_in_dim3A_355 : vector<256x1xf32>
        scf.yield %min3A_356 : vector<256x1xf32>
      }
      %while3A_266 = arith.constant 1 : i32
      %while3A_267 = scf.for %while3A_342 = %while3A_263 to %while3A_259 step %while3A_266 iter_args(%while3A_343 = %while3A_265) -> (vector<256x1xf32>)  : i32 {
        %get3A_344 = arith.index_cast %while3A_342 : i32 to index
        %get3A_345 = arith.constant 0 : index
        %get3A_346 = arith.constant 0 : index
        %get3A_347 = vector.load %arg11[%get3A_344, %get3A_345, %get3A_346] : memref<16x256x256xf32, #tpu.memory_space<vmem>>, vector<1x256x256xf32>
        %get3A_348 = vector.shape_cast %get3A_347 : vector<1x256x256xf32> to vector<256x256xf32>
        %gt3A = vector.broadcast %while3A_255 : vector<256x1xf32> to vector<256x256xf32>
        %gt3A_349 = arith.cmpf ogt, %get3A_348, %gt3A : vector<256x256xf32>
        %jit3A_350 = arith.constant 3.000000e+38 : f32
        %broadcast_in_dim3A_351 = vector.broadcast %jit3A_350 : f32 to vector<256x256xf32>
        %select_n3A_352 = arith.select %gt3A_349, %get3A_348, %broadcast_in_dim3A_351 : vector<256x256xi1>, vector<256x256xf32>
        %reduce_min3A_353 = arith.constant dense<0x7F800000> : vector<256xf32>
        %reduce_min3A_354 = vector.multi_reduction <minimumf>, %select_n3A_352, %reduce_min3A_353 [1] : vector<256x256xf32> to vector<256xf32>
        %broadcast_in_dim3A_355 = vector.shape_cast %reduce_min3A_354 : vector<256xf32> to vector<256x1xf32>
        %min3A_356 = arith.minimumf %while3A_343, %broadcast_in_dim3A_355 : vector<256x1xf32>
        scf.yield %min3A_356 : vector<256x1xf32>
      }
      %broadcast_in_dim3A_268 = arith.constant 3.000000e+38 : f32
      %broadcast_in_dim3A_269 = vector.broadcast %broadcast_in_dim3A_268 : f32 to vector<256x1xf32>
      %while3A_270 = arith.subi %select_n3A_79, %select_n3A : i32
      %while3A_271 = arith.addi %select_n3A, %while3A_270 : i32
      %while3A_272 = arith.constant 1 : i32
      %while3A_273 = arith.divsi %while3A_270, %while3A_272 : i32
      %while3A_274 = arith.muli %while3A_273, %while3A_272 : i32
      %while3A_275 = arith.addi %select_n3A, %while3A_274 : i32
      %while3A_276 = arith.constant 1 : i32
      %while3A_277 = scf.for %while3A_342 = %select_n3A to %while3A_275 step %while3A_276 iter_args(%while3A_343 = %broadcast_in_dim3A_269) -> (vector<256x1xf32>)  : i32 {
        %get3A_344 = arith.index_cast %while3A_342 : i32 to index
        %get3A_345 = arith.constant 0 : index
        %get3A_346 = arith.constant 0 : index
        %get3A_347 = vector.load %arg11[%get3A_344, %get3A_345, %get3A_346] : memref<16x256x256xf32, #tpu.memory_space<vmem>>, vector<1x256x256xf32>
        %get3A_348 = vector.shape_cast %get3A_347 : vector<1x256x256xf32> to vector<256x256xf32>
        %gt3A = vector.broadcast %while3A_267 : vector<256x1xf32> to vector<256x256xf32>
        %gt3A_349 = arith.cmpf ogt, %get3A_348, %gt3A : vector<256x256xf32>
        %jit3A_350 = arith.constant 3.000000e+38 : f32
        %broadcast_in_dim3A_351 = vector.broadcast %jit3A_350 : f32 to vector<256x256xf32>
        %select_n3A_352 = arith.select %gt3A_349, %get3A_348, %broadcast_in_dim3A_351 : vector<256x256xi1>, vector<256x256xf32>
        %reduce_min3A_353 = arith.constant dense<0x7F800000> : vector<256xf32>
        %reduce_min3A_354 = vector.multi_reduction <minimumf>, %select_n3A_352, %reduce_min3A_353 [1] : vector<256x256xf32> to vector<256xf32>
        %broadcast_in_dim3A_355 = vector.shape_cast %reduce_min3A_354 : vector<256xf32> to vector<256x1xf32>
        %min3A_356 = arith.minimumf %while3A_343, %broadcast_in_dim3A_355 : vector<256x1xf32>
        scf.yield %min3A_356 : vector<256x1xf32>
      }
      %while3A_278 = arith.constant 1 : i32
      %while3A_279 = scf.for %while3A_342 = %while3A_275 to %while3A_271 step %while3A_278 iter_args(%while3A_343 = %while3A_277) -> (vector<256x1xf32>)  : i32 {
        %get3A_344 = arith.index_cast %while3A_342 : i32 to index
        %get3A_345 = arith.constant 0 : index
        %get3A_346 = arith.constant 0 : index
        %get3A_347 = vector.load %arg11[%get3A_344, %get3A_345, %get3A_346] : memref<16x256x256xf32, #tpu.memory_space<vmem>>, vector<1x256x256xf32>
        %get3A_348 = vector.shape_cast %get3A_347 : vector<1x256x256xf32> to vector<256x256xf32>
        %gt3A = vector.broadcast %while3A_267 : vector<256x1xf32> to vector<256x256xf32>
        %gt3A_349 = arith.cmpf ogt, %get3A_348, %gt3A : vector<256x256xf32>
        %jit3A_350 = arith.constant 3.000000e+38 : f32
        %broadcast_in_dim3A_351 = vector.broadcast %jit3A_350 : f32 to vector<256x256xf32>
        %select_n3A_352 = arith.select %gt3A_349, %get3A_348, %broadcast_in_dim3A_351 : vector<256x256xi1>, vector<256x256xf32>
        %reduce_min3A_353 = arith.constant dense<0x7F800000> : vector<256xf32>
        %reduce_min3A_354 = vector.multi_reduction <minimumf>, %select_n3A_352, %reduce_min3A_353 [1] : vector<256x256xf32> to vector<256xf32>
        %broadcast_in_dim3A_355 = vector.shape_cast %reduce_min3A_354 : vector<256xf32> to vector<256x1xf32>
        %min3A_356 = arith.minimumf %while3A_343, %broadcast_in_dim3A_355 : vector<256x1xf32>
        scf.yield %min3A_356 : vector<256x1xf32>
      }
      %broadcast_in_dim3A_280 = arith.constant 3.000000e+38 : f32
      %broadcast_in_dim3A_281 = vector.broadcast %broadcast_in_dim3A_280 : f32 to vector<256x1xf32>
      %while3A_282 = arith.subi %select_n3A_79, %select_n3A : i32
      %while3A_283 = arith.addi %select_n3A, %while3A_282 : i32
      %while3A_284 = arith.constant 1 : i32
      %while3A_285 = arith.divsi %while3A_282, %while3A_284 : i32
      %while3A_286 = arith.muli %while3A_285, %while3A_284 : i32
      %while3A_287 = arith.addi %select_n3A, %while3A_286 : i32
      %while3A_288 = arith.constant 1 : i32
      %while3A_289 = scf.for %while3A_342 = %select_n3A to %while3A_287 step %while3A_288 iter_args(%while3A_343 = %broadcast_in_dim3A_281) -> (vector<256x1xf32>)  : i32 {
        %get3A_344 = arith.index_cast %while3A_342 : i32 to index
        %get3A_345 = arith.constant 0 : index
        %get3A_346 = arith.constant 0 : index
        %get3A_347 = vector.load %arg11[%get3A_344, %get3A_345, %get3A_346] : memref<16x256x256xf32, #tpu.memory_space<vmem>>, vector<1x256x256xf32>
        %get3A_348 = vector.shape_cast %get3A_347 : vector<1x256x256xf32> to vector<256x256xf32>
        %gt3A = vector.broadcast %while3A_279 : vector<256x1xf32> to vector<256x256xf32>
        %gt3A_349 = arith.cmpf ogt, %get3A_348, %gt3A : vector<256x256xf32>
        %jit3A_350 = arith.constant 3.000000e+38 : f32
        %broadcast_in_dim3A_351 = vector.broadcast %jit3A_350 : f32 to vector<256x256xf32>
        %select_n3A_352 = arith.select %gt3A_349, %get3A_348, %broadcast_in_dim3A_351 : vector<256x256xi1>, vector<256x256xf32>
        %reduce_min3A_353 = arith.constant dense<0x7F800000> : vector<256xf32>
        %reduce_min3A_354 = vector.multi_reduction <minimumf>, %select_n3A_352, %reduce_min3A_353 [1] : vector<256x256xf32> to vector<256xf32>
        %broadcast_in_dim3A_355 = vector.shape_cast %reduce_min3A_354 : vector<256xf32> to vector<256x1xf32>
        %min3A_356 = arith.minimumf %while3A_343, %broadcast_in_dim3A_355 : vector<256x1xf32>
        scf.yield %min3A_356 : vector<256x1xf32>
      }
      %while3A_290 = arith.constant 1 : i32
      %while3A_291 = scf.for %while3A_342 = %while3A_287 to %while3A_283 step %while3A_290 iter_args(%while3A_343 = %while3A_289) -> (vector<256x1xf32>)  : i32 {
        %get3A_344 = arith.index_cast %while3A_342 : i32 to index
        %get3A_345 = arith.constant 0 : index
        %get3A_346 = arith.constant 0 : index
        %get3A_347 = vector.load %arg11[%get3A_344, %get3A_345, %get3A_346] : memref<16x256x256xf32, #tpu.memory_space<vmem>>, vector<1x256x256xf32>
        %get3A_348 = vector.shape_cast %get3A_347 : vector<1x256x256xf32> to vector<256x256xf32>
        %gt3A = vector.broadcast %while3A_279 : vector<256x1xf32> to vector<256x256xf32>
        %gt3A_349 = arith.cmpf ogt, %get3A_348, %gt3A : vector<256x256xf32>
        %jit3A_350 = arith.constant 3.000000e+38 : f32
        %broadcast_in_dim3A_351 = vector.broadcast %jit3A_350 : f32 to vector<256x256xf32>
        %select_n3A_352 = arith.select %gt3A_349, %get3A_348, %broadcast_in_dim3A_351 : vector<256x256xi1>, vector<256x256xf32>
        %reduce_min3A_353 = arith.constant dense<0x7F800000> : vector<256xf32>
        %reduce_min3A_354 = vector.multi_reduction <minimumf>, %select_n3A_352, %reduce_min3A_353 [1] : vector<256x256xf32> to vector<256xf32>
        %broadcast_in_dim3A_355 = vector.shape_cast %reduce_min3A_354 : vector<256xf32> to vector<256x1xf32>
        %min3A_356 = arith.minimumf %while3A_343, %broadcast_in_dim3A_355 : vector<256x1xf32>
        scf.yield %min3A_356 : vector<256x1xf32>
      }
      %broadcast_in_dim3A_292 = arith.constant 3.000000e+38 : f32
      %broadcast_in_dim3A_293 = vector.broadcast %broadcast_in_dim3A_292 : f32 to vector<256x1xf32>
      %while3A_294 = arith.subi %select_n3A_79, %select_n3A : i32
      %while3A_295 = arith.addi %select_n3A, %while3A_294 : i32
      %while3A_296 = arith.constant 1 : i32
      %while3A_297 = arith.divsi %while3A_294, %while3A_296 : i32
      %while3A_298 = arith.muli %while3A_297, %while3A_296 : i32
      %while3A_299 = arith.addi %select_n3A, %while3A_298 : i32
      %while3A_300 = arith.constant 1 : i32
      %while3A_301 = scf.for %while3A_342 = %select_n3A to %while3A_299 step %while3A_300 iter_args(%while3A_343 = %broadcast_in_dim3A_293) -> (vector<256x1xf32>)  : i32 {
        %get3A_344 = arith.index_cast %while3A_342 : i32 to index
        %get3A_345 = arith.constant 0 : index
        %get3A_346 = arith.constant 0 : index
        %get3A_347 = vector.load %arg11[%get3A_344, %get3A_345, %get3A_346] : memref<16x256x256xf32, #tpu.memory_space<vmem>>, vector<1x256x256xf32>
        %get3A_348 = vector.shape_cast %get3A_347 : vector<1x256x256xf32> to vector<256x256xf32>
        %gt3A = vector.broadcast %while3A_291 : vector<256x1xf32> to vector<256x256xf32>
        %gt3A_349 = arith.cmpf ogt, %get3A_348, %gt3A : vector<256x256xf32>
        %jit3A_350 = arith.constant 3.000000e+38 : f32
        %broadcast_in_dim3A_351 = vector.broadcast %jit3A_350 : f32 to vector<256x256xf32>
        %select_n3A_352 = arith.select %gt3A_349, %get3A_348, %broadcast_in_dim3A_351 : vector<256x256xi1>, vector<256x256xf32>
        %reduce_min3A_353 = arith.constant dense<0x7F800000> : vector<256xf32>
        %reduce_min3A_354 = vector.multi_reduction <minimumf>, %select_n3A_352, %reduce_min3A_353 [1] : vector<256x256xf32> to vector<256xf32>
        %broadcast_in_dim3A_355 = vector.shape_cast %reduce_min3A_354 : vector<256xf32> to vector<256x1xf32>
        %min3A_356 = arith.minimumf %while3A_343, %broadcast_in_dim3A_355 : vector<256x1xf32>
        scf.yield %min3A_356 : vector<256x1xf32>
      }
      %while3A_302 = arith.constant 1 : i32
      %while3A_303 = scf.for %while3A_342 = %while3A_299 to %while3A_295 step %while3A_302 iter_args(%while3A_343 = %while3A_301) -> (vector<256x1xf32>)  : i32 {
        %get3A_344 = arith.index_cast %while3A_342 : i32 to index
        %get3A_345 = arith.constant 0 : index
        %get3A_346 = arith.constant 0 : index
        %get3A_347 = vector.load %arg11[%get3A_344, %get3A_345, %get3A_346] : memref<16x256x256xf32, #tpu.memory_space<vmem>>, vector<1x256x256xf32>
        %get3A_348 = vector.shape_cast %get3A_347 : vector<1x256x256xf32> to vector<256x256xf32>
        %gt3A = vector.broadcast %while3A_291 : vector<256x1xf32> to vector<256x256xf32>
        %gt3A_349 = arith.cmpf ogt, %get3A_348, %gt3A : vector<256x256xf32>
        %jit3A_350 = arith.constant 3.000000e+38 : f32
        %broadcast_in_dim3A_351 = vector.broadcast %jit3A_350 : f32 to vector<256x256xf32>
        %select_n3A_352 = arith.select %gt3A_349, %get3A_348, %broadcast_in_dim3A_351 : vector<256x256xi1>, vector<256x256xf32>
        %reduce_min3A_353 = arith.constant dense<0x7F800000> : vector<256xf32>
        %reduce_min3A_354 = vector.multi_reduction <minimumf>, %select_n3A_352, %reduce_min3A_353 [1] : vector<256x256xf32> to vector<256xf32>
        %broadcast_in_dim3A_355 = vector.shape_cast %reduce_min3A_354 : vector<256xf32> to vector<256x1xf32>
        %min3A_356 = arith.minimumf %while3A_343, %broadcast_in_dim3A_355 : vector<256x1xf32>
        scf.yield %min3A_356 : vector<256x1xf32>
      }
      %broadcast_in_dim3A_304 = arith.constant 3.000000e+38 : f32
      %broadcast_in_dim3A_305 = vector.broadcast %broadcast_in_dim3A_304 : f32 to vector<256x1xf32>
      %while3A_306 = arith.subi %select_n3A_79, %select_n3A : i32
      %while3A_307 = arith.addi %select_n3A, %while3A_306 : i32
      %while3A_308 = arith.constant 1 : i32
      %while3A_309 = arith.divsi %while3A_306, %while3A_308 : i32
      %while3A_310 = arith.muli %while3A_309, %while3A_308 : i32
      %while3A_311 = arith.addi %select_n3A, %while3A_310 : i32
      %while3A_312 = arith.constant 1 : i32
      %while3A_313 = scf.for %while3A_342 = %select_n3A to %while3A_311 step %while3A_312 iter_args(%while3A_343 = %broadcast_in_dim3A_305) -> (vector<256x1xf32>)  : i32 {
        %get3A_344 = arith.index_cast %while3A_342 : i32 to index
        %get3A_345 = arith.constant 0 : index
        %get3A_346 = arith.constant 0 : index
        %get3A_347 = vector.load %arg11[%get3A_344, %get3A_345, %get3A_346] : memref<16x256x256xf32, #tpu.memory_space<vmem>>, vector<1x256x256xf32>
        %get3A_348 = vector.shape_cast %get3A_347 : vector<1x256x256xf32> to vector<256x256xf32>
        %gt3A = vector.broadcast %while3A_303 : vector<256x1xf32> to vector<256x256xf32>
        %gt3A_349 = arith.cmpf ogt, %get3A_348, %gt3A : vector<256x256xf32>
        %jit3A_350 = arith.constant 3.000000e+38 : f32
        %broadcast_in_dim3A_351 = vector.broadcast %jit3A_350 : f32 to vector<256x256xf32>
        %select_n3A_352 = arith.select %gt3A_349, %get3A_348, %broadcast_in_dim3A_351 : vector<256x256xi1>, vector<256x256xf32>
        %reduce_min3A_353 = arith.constant dense<0x7F800000> : vector<256xf32>
        %reduce_min3A_354 = vector.multi_reduction <minimumf>, %select_n3A_352, %reduce_min3A_353 [1] : vector<256x256xf32> to vector<256xf32>
        %broadcast_in_dim3A_355 = vector.shape_cast %reduce_min3A_354 : vector<256xf32> to vector<256x1xf32>
        %min3A_356 = arith.minimumf %while3A_343, %broadcast_in_dim3A_355 : vector<256x1xf32>
        scf.yield %min3A_356 : vector<256x1xf32>
      }
      %while3A_314 = arith.constant 1 : i32
      %while3A_315 = scf.for %while3A_342 = %while3A_311 to %while3A_307 step %while3A_314 iter_args(%while3A_343 = %while3A_313) -> (vector<256x1xf32>)  : i32 {
        %get3A_344 = arith.index_cast %while3A_342 : i32 to index
        %get3A_345 = arith.constant 0 : index
        %get3A_346 = arith.constant 0 : index
        %get3A_347 = vector.load %arg11[%get3A_344, %get3A_345, %get3A_346] : memref<16x256x256xf32, #tpu.memory_space<vmem>>, vector<1x256x256xf32>
        %get3A_348 = vector.shape_cast %get3A_347 : vector<1x256x256xf32> to vector<256x256xf32>
        %gt3A = vector.broadcast %while3A_303 : vector<256x1xf32> to vector<256x256xf32>
        %gt3A_349 = arith.cmpf ogt, %get3A_348, %gt3A : vector<256x256xf32>
        %jit3A_350 = arith.constant 3.000000e+38 : f32
        %broadcast_in_dim3A_351 = vector.broadcast %jit3A_350 : f32 to vector<256x256xf32>
        %select_n3A_352 = arith.select %gt3A_349, %get3A_348, %broadcast_in_dim3A_351 : vector<256x256xi1>, vector<256x256xf32>
        %reduce_min3A_353 = arith.constant dense<0x7F800000> : vector<256xf32>
        %reduce_min3A_354 = vector.multi_reduction <minimumf>, %select_n3A_352, %reduce_min3A_353 [1] : vector<256x256xf32> to vector<256xf32>
        %broadcast_in_dim3A_355 = vector.shape_cast %reduce_min3A_354 : vector<256xf32> to vector<256x1xf32>
        %min3A_356 = arith.minimumf %while3A_343, %broadcast_in_dim3A_355 : vector<256x1xf32>
        scf.yield %min3A_356 : vector<256x1xf32>
      }
      %broadcast_in_dim3A_316 = arith.constant 3.000000e+38 : f32
      %broadcast_in_dim3A_317 = vector.broadcast %broadcast_in_dim3A_316 : f32 to vector<256x1xf32>
      %while3A_318 = arith.subi %select_n3A_79, %select_n3A : i32
      %while3A_319 = arith.addi %select_n3A, %while3A_318 : i32
      %while3A_320 = arith.constant 1 : i32
      %while3A_321 = arith.divsi %while3A_318, %while3A_320 : i32
      %while3A_322 = arith.muli %while3A_321, %while3A_320 : i32
      %while3A_323 = arith.addi %select_n3A, %while3A_322 : i32
      %while3A_324 = arith.constant 1 : i32
      %while3A_325 = scf.for %while3A_342 = %select_n3A to %while3A_323 step %while3A_324 iter_args(%while3A_343 = %broadcast_in_dim3A_317) -> (vector<256x1xf32>)  : i32 {
        %get3A_344 = arith.index_cast %while3A_342 : i32 to index
        %get3A_345 = arith.constant 0 : index
        %get3A_346 = arith.constant 0 : index
        %get3A_347 = vector.load %arg11[%get3A_344, %get3A_345, %get3A_346] : memref<16x256x256xf32, #tpu.memory_space<vmem>>, vector<1x256x256xf32>
        %get3A_348 = vector.shape_cast %get3A_347 : vector<1x256x256xf32> to vector<256x256xf32>
        %gt3A = vector.broadcast %while3A_315 : vector<256x1xf32> to vector<256x256xf32>
        %gt3A_349 = arith.cmpf ogt, %get3A_348, %gt3A : vector<256x256xf32>
        %jit3A_350 = arith.constant 3.000000e+38 : f32
        %broadcast_in_dim3A_351 = vector.broadcast %jit3A_350 : f32 to vector<256x256xf32>
        %select_n3A_352 = arith.select %gt3A_349, %get3A_348, %broadcast_in_dim3A_351 : vector<256x256xi1>, vector<256x256xf32>
        %reduce_min3A_353 = arith.constant dense<0x7F800000> : vector<256xf32>
        %reduce_min3A_354 = vector.multi_reduction <minimumf>, %select_n3A_352, %reduce_min3A_353 [1] : vector<256x256xf32> to vector<256xf32>
        %broadcast_in_dim3A_355 = vector.shape_cast %reduce_min3A_354 : vector<256xf32> to vector<256x1xf32>
        %min3A_356 = arith.minimumf %while3A_343, %broadcast_in_dim3A_355 : vector<256x1xf32>
        scf.yield %min3A_356 : vector<256x1xf32>
      }
      %while3A_326 = arith.constant 1 : i32
      %while3A_327 = scf.for %while3A_342 = %while3A_323 to %while3A_319 step %while3A_326 iter_args(%while3A_343 = %while3A_325) -> (vector<256x1xf32>)  : i32 {
        %get3A_344 = arith.index_cast %while3A_342 : i32 to index
        %get3A_345 = arith.constant 0 : index
        %get3A_346 = arith.constant 0 : index
        %get3A_347 = vector.load %arg11[%get3A_344, %get3A_345, %get3A_346] : memref<16x256x256xf32, #tpu.memory_space<vmem>>, vector<1x256x256xf32>
        %get3A_348 = vector.shape_cast %get3A_347 : vector<1x256x256xf32> to vector<256x256xf32>
        %gt3A = vector.broadcast %while3A_315 : vector<256x1xf32> to vector<256x256xf32>
        %gt3A_349 = arith.cmpf ogt, %get3A_348, %gt3A : vector<256x256xf32>
        %jit3A_350 = arith.constant 3.000000e+38 : f32
        %broadcast_in_dim3A_351 = vector.broadcast %jit3A_350 : f32 to vector<256x256xf32>
        %select_n3A_352 = arith.select %gt3A_349, %get3A_348, %broadcast_in_dim3A_351 : vector<256x256xi1>, vector<256x256xf32>
        %reduce_min3A_353 = arith.constant dense<0x7F800000> : vector<256xf32>
        %reduce_min3A_354 = vector.multi_reduction <minimumf>, %select_n3A_352, %reduce_min3A_353 [1] : vector<256x256xf32> to vector<256xf32>
        %broadcast_in_dim3A_355 = vector.shape_cast %reduce_min3A_354 : vector<256xf32> to vector<256x1xf32>
        %min3A_356 = arith.minimumf %while3A_343, %broadcast_in_dim3A_355 : vector<256x1xf32>
        scf.yield %min3A_356 : vector<256x1xf32>
      }
      %broadcast_in_dim3A_328 = arith.constant 0.000000e+00 : f32
      %broadcast_in_dim3A_329 = vector.broadcast %broadcast_in_dim3A_328 : f32 to vector<256x1xf32>
      %broadcast_in_dim3A_330 = arith.constant -3.000000e+38 : f32
      %broadcast_in_dim3A_331 = vector.broadcast %broadcast_in_dim3A_330 : f32 to vector<256x1xf32>
      %while3A_332 = arith.subi %select_n3A_79, %select_n3A : i32
      %while3A_333 = arith.addi %select_n3A, %while3A_332 : i32
      %while3A_334 = arith.constant 1 : i32
      %while3A_335 = arith.divsi %while3A_332, %while3A_334 : i32
      %while3A_336 = arith.muli %while3A_335, %while3A_334 : i32
      %while3A_337 = arith.addi %select_n3A, %while3A_336 : i32
      %while3A_338 = arith.constant 1 : i32
      %while3A_339:2 = scf.for %while3A_342 = %select_n3A to %while3A_337 step %while3A_338 iter_args(%while3A_343 = %broadcast_in_dim3A_329, %while3A_344 = %broadcast_in_dim3A_331) -> (vector<256x1xf32>, vector<256x1xf32>)  : i32 {
        %get3A_345 = arith.index_cast %while3A_342 : i32 to index
        %get3A_346 = arith.constant 0 : index
        %get3A_347 = arith.constant 0 : index
        %get3A_348 = vector.load %arg11[%get3A_345, %get3A_346, %get3A_347] : memref<16x256x256xf32, #tpu.memory_space<vmem>>, vector<1x256x256xf32>
        %get3A_349 = vector.shape_cast %get3A_348 : vector<1x256x256xf32> to vector<256x256xf32>
        %get3A_350 = arith.constant 0 : index
        %get3A_351 = arith.constant 3 : index
        %get3A_352 = arith.index_cast %while3A_342 : i32 to index
        %get3A_353 = arith.constant 0 : index
        %get3A_354 = vector.load %arg3[%get3A_350, %get3A_351, %get3A_352, %get3A_353] : memref<1x4x16x256xf32, #tpu.memory_space<vmem>>, vector<1x1x1x256xf32>
        %get3A_355 = vector.shape_cast %get3A_354 : vector<1x1x1x256xf32> to vector<1x256xf32>
        %mul3A_356 = arith.constant -1.000000e+01 : f32
        %mul3A_357 = vector.broadcast %mul3A_356 : f32 to vector<256x256xf32>
        %mul3A_358 = arith.mulf %mul3A_357, %get3A_349 : vector<256x256xf32>
        %exp3A = math.exp %mul3A_358 : vector<256x256xf32>
        %mul3A_359 = vector.broadcast %get3A_355 : vector<1x256xf32> to vector<256x256xf32>
        %mul3A_360 = arith.mulf %mul3A_359, %exp3A : vector<256x256xf32>
        %le3A_361 = vector.broadcast %while3A_327 : vector<256x1xf32> to vector<256x256xf32>
        %le3A_362 = arith.cmpf ole, %get3A_349, %le3A_361 : vector<256x256xf32>
        %jit3A_363 = arith.constant 0.000000e+00 : f32
        %broadcast_in_dim3A_364 = vector.broadcast %jit3A_363 : f32 to vector<256x256xf32>
        %select_n3A_365 = arith.select %le3A_362, %mul3A_360, %broadcast_in_dim3A_364 : vector<256x256xi1>, vector<256x256xf32>
        %reduce_sum3A_366 = arith.constant dense<0.000000e+00> : vector<256xf32>
        %reduce_sum3A_367 = vector.multi_reduction <add>, %select_n3A_365, %reduce_sum3A_366 [1] : vector<256x256xf32> to vector<256xf32>
        %broadcast_in_dim3A_368 = vector.shape_cast %reduce_sum3A_367 : vector<256xf32> to vector<256x1xf32>
        %add3A_369 = arith.addf %while3A_343, %broadcast_in_dim3A_368 : vector<256x1xf32>
        %jit3A_370 = arith.constant -3.000000e+38 : f32
        %broadcast_in_dim3A_371 = vector.broadcast %jit3A_370 : f32 to vector<256x256xf32>
        %select_n3A_372 = arith.select %le3A_362, %mul3A_360, %broadcast_in_dim3A_371 : vector<256x256xi1>, vector<256x256xf32>
        %reduce_max3A_373 = arith.constant dense<0xFF800000> : vector<256xf32>
        %reduce_max3A_374 = vector.multi_reduction <maximumf>, %select_n3A_372, %reduce_max3A_373 [1] : vector<256x256xf32> to vector<256xf32>
        %broadcast_in_dim3A_375 = vector.shape_cast %reduce_max3A_374 : vector<256xf32> to vector<256x1xf32>
        %max3A = arith.maximumf %while3A_344, %broadcast_in_dim3A_375 : vector<256x1xf32>
        scf.yield %add3A_369, %max3A : vector<256x1xf32>, vector<256x1xf32>
      }
      %while3A_340 = arith.constant 1 : i32
      %while3A_341:2 = scf.for %while3A_342 = %while3A_337 to %while3A_333 step %while3A_340 iter_args(%while3A_343 = %while3A_339#0, %while3A_344 = %while3A_339#1) -> (vector<256x1xf32>, vector<256x1xf32>)  : i32 {
        %get3A_345 = arith.index_cast %while3A_342 : i32 to index
        %get3A_346 = arith.constant 0 : index
        %get3A_347 = arith.constant 0 : index
        %get3A_348 = vector.load %arg11[%get3A_345, %get3A_346, %get3A_347] : memref<16x256x256xf32, #tpu.memory_space<vmem>>, vector<1x256x256xf32>
        %get3A_349 = vector.shape_cast %get3A_348 : vector<1x256x256xf32> to vector<256x256xf32>
        %get3A_350 = arith.constant 0 : index
        %get3A_351 = arith.constant 3 : index
        %get3A_352 = arith.index_cast %while3A_342 : i32 to index
        %get3A_353 = arith.constant 0 : index
        %get3A_354 = vector.load %arg3[%get3A_350, %get3A_351, %get3A_352, %get3A_353] : memref<1x4x16x256xf32, #tpu.memory_space<vmem>>, vector<1x1x1x256xf32>
        %get3A_355 = vector.shape_cast %get3A_354 : vector<1x1x1x256xf32> to vector<1x256xf32>
        %mul3A_356 = arith.constant -1.000000e+01 : f32
        %mul3A_357 = vector.broadcast %mul3A_356 : f32 to vector<256x256xf32>
        %mul3A_358 = arith.mulf %mul3A_357, %get3A_349 : vector<256x256xf32>
        %exp3A = math.exp %mul3A_358 : vector<256x256xf32>
        %mul3A_359 = vector.broadcast %get3A_355 : vector<1x256xf32> to vector<256x256xf32>
        %mul3A_360 = arith.mulf %mul3A_359, %exp3A : vector<256x256xf32>
        %le3A_361 = vector.broadcast %while3A_327 : vector<256x1xf32> to vector<256x256xf32>
        %le3A_362 = arith.cmpf ole, %get3A_349, %le3A_361 : vector<256x256xf32>
        %jit3A_363 = arith.constant 0.000000e+00 : f32
        %broadcast_in_dim3A_364 = vector.broadcast %jit3A_363 : f32 to vector<256x256xf32>
        %select_n3A_365 = arith.select %le3A_362, %mul3A_360, %broadcast_in_dim3A_364 : vector<256x256xi1>, vector<256x256xf32>
        %reduce_sum3A_366 = arith.constant dense<0.000000e+00> : vector<256xf32>
        %reduce_sum3A_367 = vector.multi_reduction <add>, %select_n3A_365, %reduce_sum3A_366 [1] : vector<256x256xf32> to vector<256xf32>
        %broadcast_in_dim3A_368 = vector.shape_cast %reduce_sum3A_367 : vector<256xf32> to vector<256x1xf32>
        %add3A_369 = arith.addf %while3A_343, %broadcast_in_dim3A_368 : vector<256x1xf32>
        %jit3A_370 = arith.constant -3.000000e+38 : f32
        %broadcast_in_dim3A_371 = vector.broadcast %jit3A_370 : f32 to vector<256x256xf32>
        %select_n3A_372 = arith.select %le3A_362, %mul3A_360, %broadcast_in_dim3A_371 : vector<256x256xi1>, vector<256x256xf32>
        %reduce_max3A_373 = arith.constant dense<0xFF800000> : vector<256xf32>
        %reduce_max3A_374 = vector.multi_reduction <maximumf>, %select_n3A_372, %reduce_max3A_373 [1] : vector<256x256xf32> to vector<256xf32>
        %broadcast_in_dim3A_375 = vector.shape_cast %reduce_max3A_374 : vector<256xf32> to vector<256x1xf32>
        %max3A = arith.maximumf %while3A_344, %broadcast_in_dim3A_375 : vector<256x1xf32>
        scf.yield %add3A_369, %max3A : vector<256x1xf32>, vector<256x1xf32>
      }
      scf.yield %while3A_341#0, %while3A_341#1 : vector<256x1xf32>, vector<256x1xf32>
    }
    %mul3A = arith.constant 6.250000e-02 : f32
    %mul3A_87 = vector.broadcast %mul3A : f32 to vector<256x1xf32>
    %mul3A_88 = arith.mulf %cond3A_86#0, %mul3A_87 : vector<256x1xf32>
    %get3A_89 = arith.constant 0 : index
    %get3A_90 = arith.constant 0 : index
    %get3A_91 = arith.constant 0 : index
    %get3A_92 = vector.load %arg8[%get3A_89, %get3A_90, %get3A_91] : memref<1x2x64xf32, #tpu.memory_space<vmem>>, vector<1x2x64xf32>
    %get3A_93 = vector.shape_cast %get3A_92 : vector<1x2x64xf32> to vector<2x64xf32>
    %get3A_94 = arith.constant 0 : index
    %get3A_95 = arith.constant 0 : index
    %get3A_96 = arith.constant 0 : index
    %get3A_97 = vector.load %arg6[%get3A_94, %get3A_95, %get3A_96] : memref<1x256x128xf32, #tpu.memory_space<vmem>>, vector<1x256x128xf32>
    %get3A_98 = vector.shape_cast %get3A_97 : vector<1x256x128xf32> to vector<256x128xf32>
    %get3A_99 = arith.constant 0 : index
    %get3A_100 = arith.constant 0 : index
    %get3A_101 = arith.constant 0 : index
    %get3A_102 = vector.load %arg7[%get3A_99, %get3A_100, %get3A_101] : memref<1x128x64xf32, #tpu.memory_space<vmem>>, vector<1x128x64xf32>
    %get3A_103 = vector.shape_cast %get3A_102 : vector<1x128x64xf32> to vector<128x64xf32>
    %dot_general3A = arith.constant dense<0.000000e+00> : vector<256x64xf32>
    %dot_general3A_104 = tpu.matmul %get3A_98, %get3A_103, %dot_general3A {dimension_numbers = #tpu.dot_dimension_numbers<[1], [0], [0], [1], [0, 0, 1, 1], [], []>, transpose_lhs_hint = false} : vector<256x128xf32>, vector<128x64xf32>, vector<256x64xf32> -> vector<256x64xf32>
    %slice3A_105 = vector.extract_strided_slice %get3A_93 {offsets = [0, 0], sizes = [1, 64], strides = [1, 1]} : vector<2x64xf32> to vector<1x64xf32>
    %mul3A_106 = vector.broadcast %mul3A_88 : vector<256x1xf32> to vector<256x64xf32>
    %mul3A_107 = vector.broadcast %slice3A_105 : vector<1x64xf32> to vector<256x64xf32>
    %mul3A_108 = arith.mulf %mul3A_106, %mul3A_107 : vector<256x64xf32>
    %add3A_109 = arith.addf %dot_general3A_104, %mul3A_108 : vector<256x64xf32>
    %slice3A_110 = vector.extract_strided_slice %get3A_93 {offsets = [1, 0], sizes = [1, 64], strides = [1, 1]} : vector<2x64xf32> to vector<1x64xf32>
    %mul3A_111 = vector.broadcast %cond3A_86#1 : vector<256x1xf32> to vector<256x64xf32>
    %mul3A_112 = vector.broadcast %slice3A_110 : vector<1x64xf32> to vector<256x64xf32>
    %mul3A_113 = arith.mulf %mul3A_111, %mul3A_112 : vector<256x64xf32>
    %add3A_114 = arith.addf %add3A_109, %mul3A_113 : vector<256x64xf32>
    %get3A_115 = arith.constant 0 : index
    %get3A_116 = arith.constant 0 : index
    %get3A_117 = arith.constant 0 : index
    %get3A_118 = vector.load %arg9[%get3A_115, %get3A_116, %get3A_117] : memref<1x1x64xf32, #tpu.memory_space<vmem>>, vector<1x1x64xf32>
    %get3A_119 = vector.shape_cast %get3A_118 : vector<1x1x64xf32> to vector<1x64xf32>
    %add3A_120 = vector.broadcast %get3A_119 : vector<1x64xf32> to vector<256x64xf32>
    %add3A_121 = arith.addf %add3A_114, %add3A_120 : vector<256x64xf32>
    %swap3A = arith.constant 0 : index
    %swap3A_122 = arith.constant 0 : index
    %swap3A_123 = arith.constant 0 : index
    %swap3A_124 = vector.load %arg10[%swap3A, %swap3A_122, %swap3A_123] : memref<1x256x64xf32, #tpu.memory_space<vmem>>, vector<1x256x64xf32>
    %swap3A_125 = vector.shape_cast %swap3A_124 : vector<1x256x64xf32> to vector<256x64xf32>
    %swap3A_126 = vector.shape_cast %add3A_121 : vector<256x64xf32> to vector<1x256x64xf32>
    tpu.vector_store %arg10[%swap3A, %swap3A_122, %swap3A_123], %swap3A_126 {strides = array<i32>} : memref<1x256x64xf32, #tpu.memory_space<vmem>>, vector<1x256x64xf32>,
    return
  }
  func.func @transform_0(%arg0: i32, %arg1: i32) -> (i32, i32, i32) {
    %c0_i32 = arith.constant 0 : i32
    %c0_i32_0 = arith.constant 0 : i32
    return %arg0, %arg1, %c0_i32 : i32, i32, i32
  }
  func.func @transform_1(%arg0: i32, %arg1: i32) -> (i32, i32, i32, i32) {
    %c0_i32 = arith.constant 0 : i32
    %c0_i32_0 = arith.constant 0 : i32
    %c0_i32_1 = arith.constant 0 : i32
    %c0_i32_2 = arith.constant 0 : i32
    return %arg0, %c0_i32, %c0_i32_0, %c0_i32_1 : i32, i32, i32, i32
  }
  func.func @transform_2(%arg0: i32, %arg1: i32) -> (i32, i32, i32) {
    %c0_i32 = arith.constant 0 : i32
    %c0_i32_0 = arith.constant 0 : i32
    return %arg0, %arg1, %c0_i32 : i32, i32, i32
  }
  func.func @transform_3(%arg0: i32, %arg1: i32) -> (i32, i32, i32, i32) {
    %c0_i32 = arith.constant 0 : i32
    %c0_i32_0 = arith.constant 0 : i32
    %c0_i32_1 = arith.constant 0 : i32
    %c0_i32_2 = arith.constant 0 : i32
    return %arg0, %c0_i32, %c0_i32_0, %c0_i32_1 : i32, i32, i32, i32
  }
  func.func @transform_4(%arg0: i32, %arg1: i32) -> (i32, i32, i32) {
    %c0_i32 = arith.constant 0 : i32
    %c0_i32_0 = arith.constant 0 : i32
    return %arg0, %arg1, %c0_i32 : i32, i32, i32
  }
  func.func @transform_5(%arg0: i32, %arg1: i32) -> (i32, i32, i32) {
    %c0_i32 = arith.constant 0 : i32
    %c0_i32_0 = arith.constant 0 : i32
    %c0_i32_1 = arith.constant 0 : i32
    return %arg0, %c0_i32, %c0_i32_0 : i32, i32, i32
  }
  func.func @transform_6(%arg0: i32, %arg1: i32) -> (i32, i32, i32) {
    %c0_i32 = arith.constant 0 : i32
    %c0_i32_0 = arith.constant 0 : i32
    %c0_i32_1 = arith.constant 0 : i32
    return %arg0, %c0_i32, %c0_i32_0 : i32, i32, i32
  }
  func.func @transform_7(%arg0: i32, %arg1: i32) -> (i32, i32, i32) {
    %c0_i32 = arith.constant 0 : i32
    %c0_i32_0 = arith.constant 0 : i32
    %c0_i32_1 = arith.constant 0 : i32
    return %arg0, %c0_i32, %c0_i32_0 : i32, i32, i32
  }
  func.func @transform_8(%arg0: i32, %arg1: i32) -> (i32, i32, i32) {
    %c0_i32 = arith.constant 0 : i32
    %c0_i32_0 = arith.constant 0 : i32
    return %arg0, %arg1, %c0_i32 : i32, i32, i32
  }
}

module attributes {stable_mosaic.version = 14 : i64} {
  func.func @_head_body(%arg0: i32, %arg1: memref<2048x64xf32, #tpu.memory_space<vmem>>, %arg2: memref<1x64x1xf32, #tpu.memory_space<vmem>>, %arg3: memref<2048x32xf32, #tpu.memory_space<vmem>>, %arg4: memref<1x1xf32, #tpu.memory_space<vmem>>, %arg5: memref<32x1xf32, #tpu.memory_space<vmem>>) attributes {dimension_semantics = [#tpu.dimension_semantics<arbitrary>], iteration_bounds = array<i64: 10>, scalar_prefetch = 0 : i64, scratch_operands = 0 : i64, tpu.core_type = #tpu.core_type<tc>, window_params = [{transform_indices = @transform_0, window_bounds = array<i64: 2048, 64>}, {transform_indices = @transform_1, window_bounds = array<i64: 1, 64, 1>}, {transform_indices = @transform_2, window_bounds = array<i64: 2048, 32>}, {pipeline_mode = #tpu.pipeline_mode<synchronous>, transform_indices = @transform_3, window_bounds = array<i64: 1, 1>}, {pipeline_mode = #tpu.pipeline_mode<synchronous>, transform_indices = @transform_4, window_bounds = array<i64: 32, 1>}]} {
    %eq3A = arith.constant 0 : i32
    %eq3A_0 = arith.cmpi eq, %arg0, %eq3A : i32
    %convert_element_type3A = arith.extui %eq3A_0 : i1 to i32
    %cond3A = arith.constant 0 : i32
    %cond3A_1 = arith.cmpi ne, %convert_element_type3A, %cond3A : i32
    scf.if %cond3A_1 {
      %get3A_20 = arith.constant 0 : index
      %get3A_21 = arith.constant 0 : index
      %get3A_22 = vector.load %arg4[%get3A_20, %get3A_21] : memref<1x1xf32, #tpu.memory_space<vmem>>, vector<1x1xf32>
      %broadcast_in_dim3A = vector.shape_cast %get3A_22 : vector<1x1xf32> to vector<1x1xf32>
      %broadcast_in_dim3A_23 = vector.broadcast %broadcast_in_dim3A : vector<1x1xf32> to vector<32x1xf32>
      %swap3A_24 = arith.constant 0 : index
      %swap3A_25 = arith.constant 0 : index
      %swap3A_26 = vector.load %arg5[%swap3A_24, %swap3A_25] : memref<32x1xf32, #tpu.memory_space<vmem>>, vector<32x1xf32>
      tpu.vector_store %arg5[%swap3A_24, %swap3A_25], %broadcast_in_dim3A_23 {strides = array<i32>} : memref<32x1xf32, #tpu.memory_space<vmem>>, vector<32x1xf32>,
    } else {
    }
    %get3A = arith.constant 0 : index
    %get3A_2 = arith.constant 0 : index
    %get3A_3 = vector.load %arg1[%get3A, %get3A_2] : memref<2048x64xf32, #tpu.memory_space<vmem>>, vector<2048x64xf32>
    %get3A_4 = arith.constant 0 : index
    %get3A_5 = arith.constant 0 : index
    %get3A_6 = arith.constant 0 : index
    %get3A_7 = vector.load %arg2[%get3A_4, %get3A_5, %get3A_6] : memref<1x64x1xf32, #tpu.memory_space<vmem>>, vector<1x64x1xf32>
    %get3A_8 = vector.shape_cast %get3A_7 : vector<1x64x1xf32> to vector<64x1xf32>
    %dot_general3A = arith.constant dense<0.000000e+00> : vector<2048x1xf32>
    %dot_general3A_9 = tpu.matmul %get3A_3, %get3A_8, %dot_general3A {dimension_numbers = #tpu.dot_dimension_numbers<[1], [0], [0], [1], [0, 0, 1, 1], [], []>, transpose_lhs_hint = false} : vector<2048x64xf32>, vector<64x1xf32>, vector<2048x1xf32> -> vector<2048x1xf32>
    %get3A_10 = arith.constant 0 : index
    %get3A_11 = arith.constant 0 : index
    %get3A_12 = vector.load %arg3[%get3A_10, %get3A_11] : memref<2048x32xf32, #tpu.memory_space<vmem>>, vector<2048x32xf32>
    %dot_general3A_13 = arith.constant dense<0.000000e+00> : vector<32x1xf32>
    %dot_general3A_14 = tpu.matmul %get3A_12, %dot_general3A_9, %dot_general3A_13 {dimension_numbers = #tpu.dot_dimension_numbers<[0], [0], [1], [1], [0, 1, 1, 1], [], []>, transpose_lhs_hint = false} : vector<2048x32xf32>, vector<2048x1xf32>, vector<32x1xf32> -> vector<32x1xf32>
    %get3A_15 = arith.constant 0 : index
    %get3A_16 = arith.constant 0 : index
    %get3A_17 = vector.load %arg5[%get3A_15, %get3A_16] : memref<32x1xf32, #tpu.memory_space<vmem>>, vector<32x1xf32>
    %add3A = arith.addf %get3A_17, %dot_general3A_14 : vector<32x1xf32>
    %swap3A = arith.constant 0 : index
    %swap3A_18 = arith.constant 0 : index
    %swap3A_19 = vector.load %arg5[%swap3A, %swap3A_18] : memref<32x1xf32, #tpu.memory_space<vmem>>, vector<32x1xf32>
    tpu.vector_store %arg5[%swap3A, %swap3A_18], %add3A {strides = array<i32>} : memref<32x1xf32, #tpu.memory_space<vmem>>, vector<32x1xf32>,
    return
  }
  func.func @transform_0(%arg0: i32) -> (i32, i32) {
    %c0_i32 = arith.constant 0 : i32
    %c0_i32_0 = arith.constant 0 : i32
    return %arg0, %c0_i32 : i32, i32
  }
  func.func @transform_1(%arg0: i32) -> (i32, i32, i32) {
    %jit3A = arith.constant 2 : i32
    %div3A = arith.divsi %arg0, %jit3A : i32
    %sign3A = arith.constant 0 : i32
    %sign3A_0 = arith.cmpi sgt, %arg0, %sign3A : i32
    %sign3A_1 = arith.extui %sign3A_0 : i1 to i32
    %sign3A_2 = arith.constant 0 : i32
    %sign3A_3 = arith.cmpi slt, %arg0, %sign3A_2 : i32
    %sign3A_4 = arith.extui %sign3A_3 : i1 to i32
    %sign3A_5 = arith.subi %sign3A_1, %sign3A_4 : i32
    %sign3A_6 = arith.constant 0 : i32
    %sign3A_7 = arith.cmpi sgt, %jit3A, %sign3A_6 : i32
    %sign3A_8 = arith.extui %sign3A_7 : i1 to i32
    %sign3A_9 = arith.constant 0 : i32
    %sign3A_10 = arith.cmpi slt, %jit3A, %sign3A_9 : i32
    %sign3A_11 = arith.extui %sign3A_10 : i1 to i32
    %sign3A_12 = arith.subi %sign3A_8, %sign3A_11 : i32
    %ne3A = arith.cmpi ne, %sign3A_5, %sign3A_12 : i32
    %rem3A = arith.remsi %arg0, %jit3A : i32
    %ne3A_13 = arith.constant 0 : i32
    %ne3A_14 = arith.cmpi ne, %rem3A, %ne3A_13 : i32
    %and3A = arith.andi %ne3A, %ne3A_14 : i1
    %sub3A = arith.constant 1 : i32
    %sub3A_15 = arith.subi %div3A, %sub3A : i32
    %select_n3A = arith.select %and3A, %sub3A_15, %div3A : i32
    %c0_i32 = arith.constant 0 : i32
    %c0_i32_16 = arith.constant 0 : i32
    %c0_i32_17 = arith.constant 0 : i32
    return %select_n3A, %c0_i32, %c0_i32_16 : i32, i32, i32
  }
  func.func @transform_2(%arg0: i32) -> (i32, i32) {
    %c0_i32 = arith.constant 0 : i32
    %c0_i32_0 = arith.constant 0 : i32
    return %arg0, %c0_i32 : i32, i32
  }
  func.func @transform_3(%arg0: i32) -> (i32, i32) {
    %c0_i32 = arith.constant 0 : i32
    %c0_i32_0 = arith.constant 0 : i32
    %c0_i32_1 = arith.constant 0 : i32
    return %c0_i32, %c0_i32_0 : i32, i32
  }
  func.func @transform_4(%arg0: i32) -> (i32, i32) {
    %c0_i32 = arith.constant 0 : i32
    %c0_i32_0 = arith.constant 0 : i32
    %c0_i32_1 = arith.constant 0 : i32
    return %c0_i32, %c0_i32_0 : i32, i32
  }
}

</mosaic_0001>

<sc_bundles>
// kernel: kernel.6.cloned.1.call-start
scs
__scs_entry_jumppad:
0x0: {  	(pc) =	sbr.rel $0x88, $3  }
0x1: {  	(tag) =	ssettag $0x0;
	lr =	simm.s32 $0x1  }
0x2: {  	[smem:$0x3F79] =	sst lr;
	_ =	strace $0xD0000000  }
0x3: {  	_ = 	snop  }
0x4: {  	_ = 	snop  }
0x5: {  	_ = 	snop  }
0x6: {  	_ = 	snop  }
0x7: {  	_ = 	snop  }
__scs_overlays_trampoline_lowered:
0x8: {  	[smem:$0x3F88] =	sst s0  }
0x9: {  	[smem:$0x3F89] =	sst s1  }
0xa: {  	[smem:$0x3F8A] =	sst s2  }
0xb: {  	[smem:$0x3F8B] =	sst s3  }
0xc: {  	[smem:$0x3F8C] =	sst s4  }
0xd: {  	[smem:$0x3F8D] =	sst s5  }
0xe: {  	[smem:$0x3F8E] =	sst s6  }
0xf: {  	[smem:$0x3F8F] =	sst s7  }
0x10: {  	[smem:$0x3F90] =	sst s8  }
0x11: {  	[smem:$0x3F91] =	sst s9;
	s0 =	simm.s32 @!p0 $0x0  }
0x12: {  	s1 =	sld [smem:$0x3F77];
	s0 =	simm.s32 @p0 $0x1  }
0x13: {  	[smem:$0x3F92] =	sst s0;
	s0 =	simm.s32 @!p1 $0x0  }
0x14: {  	s2 =	sld [smem:$0x3F76];
	s0 =	simm.s32 @p1 $0x1  }
0x15: {  	[smem:$0x3F93] =	sst s0;
	s0 =	simm.s32 @!p2 $0x0  }
0x16: {  	s3 =	sld [smem:$0x3FDB];
	s0 =	simm.s32 @p2 $0x1  }
0x17: {  	s4 =	simm.s32 $0x1BF5;
	[smem:$0x3F95] =	sst s0  }
0x18: {  	s0 =	sld [smem:$0x3F78];
	_ =	swait.ge [sflag:s4], $0x0  }
0x19: {  	s7 =	sld [smem:$0x3F79]  }
0x1a: {  	s8 =	sadd.s32 $0xFFFFE003, lr  }
0x1b: {  	s9 =	sadd.s32 $0xFFFFFEF7, lr;
	s5 =	simm.s32 $0xFFFFFFFF;
	p2 =	slt.u32 s8, $0xFFFFF086  }
0x1c: {  	p1 =	slt.u32 s9, $0xF7A;
	s5 =	simm.s32 @!p2 $0x0  }
0x1d: {  	s5 =	simm.s32 @p1 $0x1;
	p0 =	seq.s32 s7, s2  }
0x1e: {  	s7 =	smul.u32 @!p0 $0xF7A, s2;
	p2 =	seq.s32 @!p0 s5, $0x0  }
0x1f: {  	s9 =	smul.u32 $0xF7A, s1;
	s8 =	simm.s32 @!p0 $0x1BF5;
	p2 =	por !p2, p0  }
0x20: {  	[sflag:s8] =	ssyncset.s32 @!p0 $0xFFFFF086;
	s6 =	sadd.s32 @!p0 s3, s7;
	s7 =	simm.s32 @!p0 $0x108  }
0x21: {  	s3 =	sadd.s32 s3, s9;
	s6 =	sadd.s32 @!p0 $0x88, s6;
	s7 =	simm.s32 @p2 $0x1082  }
0x22: {  	[simem:s7], [sflag:s8] =	dma.local @!p0 [hbm:s6], $0xF7A  }
0x23: {  	s9 =	sor.u32 $0xD0000000, s2;
	s6 =	simm.s32 $0x108;
	_ =	swait.ge @!p0 [sflag:s8], $0x0  }
0x24: {  	s3 =	sadd.s32 $0x88, s3;
	s6 =	simm.s32 @!p1 $0x1082;
	[sflag:s4] =	ssyncset.s32 $0xFFFFF086  }
0x25: {  	[simem:s6], [sflag:s4] =	dma.local [hbm:s3], $0xF7A  }
0x26: {  	[smem:$0x3F79] =	sst s1;
	(tag) =	ssettag s2;
	_ =	strace s9  }
0x27: {  	s1 =	sld [smem:$0x3F89]  }
0x28: {  	s2 =	sld [smem:$0x3F8A]  }
0x29: {  	s4 =	sld [smem:$0x3F8C]  }
0x2a: {  	p0 =	seq.s32 s5, $0x0;
	s5 =	sld [smem:$0x3F8D]  }
0x2b: {  	s6 =	sld [smem:$0x3F8E]  }
0x2c: {  	s7 =	sld [smem:$0x3F8F]  }
0x2d: {  	s3 =	simm.s32 $0x108;
	s8 =	sld [smem:$0x3F90]  }
0x2e: {  	s3 =	simm.s32 @!p0 $0x1082;
	s9 =	sld [smem:$0x3F91]  }
0x2f: {  	lr =	sadd.s32 s0, s3;
	s0 =	sld [smem:$0x3F88]  }
0x30: {  	s3 =	sld [smem:$0x3F8B]  }
0x31: {  	[smem:$0x3F94] =	sst s10  }
0x32: {  	s10 =	sld [smem:$0x3F92];
	_ =	sdelay $0x3  }
0x33: {  	p0 =	seq.s32 s10, $0x1;
	s10 =	sld [smem:$0x3F94];
	_ =	sdelay $0x3  }
0x34: {  	[smem:$0x3F94] =	sst s10  }
0x35: {  	s10 =	sld [smem:$0x3F93];
	_ =	sdelay $0x3  }
0x36: {  	p1 =	seq.s32 s10, $0x1;
	s10 =	sld [smem:$0x3F94];
	_ =	sdelay $0x3  }
0x37: {  	[smem:$0x3F94] =	sst s10  }
0x38: {  	s10 =	sld [smem:$0x3F95]  }
0x39: {  	_ = 	snop;
	(pc) =	sbr.ind lr, $3  }
0x3a: {  	_ = 	snop  }
0x3b: {  	_ = 	snop  }
0x3c: {  	p2 =	seq.s32 s10, $0x1;
	s10 =	sld [smem:$0x3F94]  }
0x3d: {  	_ =	shalt  }
0x3e: {  	_ =	shalt  }
0x3f: {  	_ =	shalt  }
0x40: {  	_ =	shalt  }
0x41: {  	_ =	shalt  }
0x42: {  	_ =	shalt  }
0x43: {  	_ =	shalt  }
0x44: {  	_ =	shalt  }
0x45: {  	_ =	shalt  }
0x46: {  	_ =	shalt  }
0x47: {  	_ =	shalt  }
0x48: {  	_ =	shalt  }
0x49: {  	_ =	shalt  }
0x4a: {  	_ =	shalt  }
0x4b: {  	_ =	shalt  }
0x4c: {  	_ =	shalt  }
0x4d: {  	_ =	shalt  }
0x4e: {  	_ =	shalt  }
0x4f: {  	_ =	shalt  }
0x50: {  	_ =	shalt  }
0x51: {  	_ =	shalt  }
0x52: {  	_ =	shalt  }
0x53: {  	_ =	shalt  }
0x54: {  	_ =	shalt  }
0x55: {  	_ =	shalt  }
0x56: {  	_ =	shalt  }
0x57: {  	_ =	shalt  }
0x58: {  	_ =	shalt  }
0x59: {  	_ =	shalt  }
0x5a: {  	_ =	shalt  }
0x5b: {  	_ =	shalt  }
0x5c: {  	_ =	shalt  }
0x5d: {  	_ =	shalt  }
0x5e: {  	_ =	shalt  }
0x5f: {  	_ =	shalt  }
0x60: {  	_ =	shalt  }
0x61: {  	_ =	shalt  }
0x62: {  	_ =	shalt  }
0x63: {  	_ =	shalt  }
0x64: {  	_ =	shalt  }
0x65: {  	_ =	shalt  }
0x66: {  	_ =	shalt  }
0x67: {  	_ =	shalt  }
0x68: {  	_ =	shalt  }
0x69: {  	_ =	shalt  }
0x6a: {  	_ =	shalt  }
0x6b: {  	_ =	shalt  }
0x6c: {  	_ =	shalt  }
0x6d: {  	_ =	shalt  }
0x6e: {  	_ =	shalt  }
0x6f: {  	_ =	shalt  }
0x70: {  	_ =	shalt  }
0x71: {  	_ =	shalt  }
0x72: {  	_ =	shalt  }
0x73: {  	_ =	shalt  }
0x74: {  	_ =	shalt  }
0x75: {  	_ =	shalt  }
0x76: {  	_ =	shalt  }
0x77: {  	_ =	shalt  }
0x78: {  	_ =	shalt  }
0x79: {  	_ =	shalt  }
0x7a: {  	_ =	shalt  }
0x7b: {  	_ =	shalt  }
0x7c: {  	_ =	shalt  }
0x7d: {  	_ =	shalt  }
0x7e: {  	_ =	shalt  }
0x7f: {  	_ =	shalt  }
0x80: {  	_ =	shalt  }
0x81: {  	_ =	shalt  }
0x82: {  	_ =	shalt  }
0x83: {  	_ =	shalt  }
0x84: {  	_ =	shalt  }
0x85: {  	_ =	shalt  }
0x86: {  	_ =	shalt  }
0x87: {  	_ =	shalt  }
.Lfunc_end0:
.L_simem_size_0:
called_computation_lowered:
.L_overlay_start_0:
0x88: {  	s2 =	sld [smem:$0x3FD9]  }
0x89: {  	s3 =	sld [smem:$0x3FFE];
	_ =	sdelay $0x1  }
0x8a: {  	s1 =	srdreg.scid  }
0x8b: {  	s0 =	sand.u32 $0x1, s1  }
0x8c: {  	s16 =	sshll.u32 s0, $0xA;
	s2 =	sadd.s32 s3, s2  }
0x8d: {  	s2 =	sadd.s32 s2, s16  }
0x8e: {  	[smem:$0x3FA0] =	sst s2  }
0x8f: {  	_ = 	snop  }
0x90: {  	(tm) =	ssettm $0x1  }
0x91: {  	s17 =	sld [smem:$0x3FFB];
	_ =	sdelay $0x3  }
0x92: {  	_ =	strace s17  }
0x93: {  	s2 =	sld [smem:$0x3FFC];
	_ =	sdelay $0x3  }
0x94: {  	_ =	strace s2  }
0x95: {  	s2 =	sld [smem:$0x3FFD];
	_ =	sdelay $0x3  }
0x96: {  	_ =	strace s2  }
0x97: {  	_ =	strace $0x8FFFFFFF  }
0x98: {  	s18 =	sld [smem:$0x3FDB];
	_ =	sdelay $0x1  }
0x99: {  	s19 =	simm.s32 $_scs_section_size  }
0x9a: {  	s4 =	simm.s32 $_size__tile_overlayer_lowered;
	s5 =	simm.s32 $_tile_overlayer_lowered  }
0x9b: {  	s22 =	simm.s32 $0x1BFF;
	s21 =	sshll.u32 s5, $0x1;
	s2 =	sadd.s32 s19, s18  }
0x9c: {  	s6 =	simm.s32 $0x0;
	s20 =	sshll.u32 s4, $0x1;
	s4 =	sadd.s32 s21, s2  }
0x9d: {  	[timem:s6], [sflag:s22] =	dma.local [hbm:s4], s20  }
0x9e: {  	_ =	swait.ge [sflag:s22], s20  }
0x9f: {  	s3 =	ssub.s32 $0x0, s20;
	[sflag:s22] =	ssyncset.done $0x0  }
0xa0: {  	[sflag:s22] =	ssyncadd.s32 s3;
	_ =	sdelay $0x1  }
0xa1: {  	s23 =	simm.s32 $0x1B8B  }
0xa2: {  	_ =	swait.ge [sflag:s23], $0x1  }
0xa3: {  	[sflag:s23] =	ssyncset.done $0x0  }
0xa4: {  	s25 =	simm.s32 $0x1B8E;
	s24 =	sld [smem:$0x3FFE];
	[sflag:s23] =	ssyncadd.s32 $0xFFFFFFFF  }
0xa5: {  	s26 =	simm.s32 $execute0_lowered;
	[smem:$0x3FD2] =	sst s25  }
0xa6: {  	s4 =	sshll.u32 s26, $0x1;
	_ =	strace $0x80000046;
	[dreg:$0x1] =	wrdreg $0xFFFFFFFF  }
0xa7: {  	s28 =	simm.s32 $_size_execute0_lowered;
	s2 =	sadd.s32 s2, s4;
	[dreg:$0x0] =	wrdreg $0x0  }
0xa8: {  	s4 =	sshll.u32 s28, $0x1;
	[dreg:$0x2] =	wrdreg s2  }
0xa9: {  	[dreg:$0x3] =	wrdreg s4  }
0xaa: {  	[dreg:$0x4] =	wrdreg $0xC0  }
0xab: {  	_ =	task [dreg:s6], $0x5FFFF  }
0xac: {  	[dreg:$0x1] =	wrdreg $0xFFFFFFFF  }
0xad: {  	[dreg:$0x0] =	wrdreg $0x60  }
0xae: {  	[dreg:$0x2] =	wrdreg s24  }
0xaf: {  	[dreg:$0x3] =	wrdreg $0x9  }
0xb0: {  	_ =	task.clear_ibuf [dreg:s6], $0x4FFFF;
	_ =	strace $0x90000046  }
0xb1: {  	s29 =	simm.s32 $0x9;
	_ =	strace $0x80000048  }
0xb2: {  	_ =	swait.ge [sflag:s29], $0x1  }
0xb3: {  	[sflag:s29] =	ssyncadd.s32 $0xFFFFFFFF  }
0xb4: {  	_ =	strace $0x90000048  }
0xb5: {  	_ =	sfence  }
0xb6: {  	s30 =	sld [smem:$0x0];
	_ =	sdelay $0x2  }
0xb7: {  	s31 =	sshll.u32 s1, $0xD;
	s1 =	sshrl.u32 s1, $0x2  }
0xb8: {  	s3 =	sand.u32 $0x4000, s31;
	s1 =	sadd.s32 s1, s30  }
0xb9: {  	s0 =	sor.u32 s3, s0;
	s1 =	sshll.u32 s1, $0x11  }
0xba: {  	s0 =	sor.u32 s1, s0  }
0xbb: {  	s0 =	sadd.s32 $0x8F2B, s0  }
0xbc: {  	[sflag:s0] =	ssyncadd.remote.s32 $0x1  }
0xbd: {  	_ =	sfence.sel $0xFFFF  }
0xbe: {  	[dreg:$0x0] =	wrdreg $0xFFFFFFFF;
	(pc) =	sbr.abs _section_cstart, $3  }
0xbf: {  	[dreg:$0x1] =	wrdreg $0xFFFFFFFF  }
0xc0: {  	_ =	task.clear_ibuf [dreg:s6], $0x2FFFF;
	_ =	strace $0x9FFFFFFF  }
0xc1: {  	(tm) =	ssettm $0x7FFFFFFF  }
tec
execute0_lowered:
.L_overlay_start_1:
0x0: {  	(tag) =	ssettag $0x1  }
0x1: {  	s1 =	srdreg.scid;
	s0 =	stileid.u32  }
0x2: {  	s4 =	rddreg [dreg:$0x0];
	s3 =	sand.u32 $0x1, s1;
	s30 =	sshll.u32 s0, $0x1  }
0x3: {  	s2 =	simm.s32 $0x0;
	s6 =	simm.s32 $0x1;
	s5 =	sor.u32 s3, s30  }
0x4: {  	s1 =	rddreg [dreg:$0x1];
	s3 =	ssub.s32 $0x2, s3;
	s5 =	smul.u32 $0x1400, s5  }
0x5: {  	s7 =	simm.s32 $0x0;
	[smem:$0x7FF] =	sst s2;
	s31 =	sshrl.u32 s3, $0x1  }
0x6: {  	_ =	strace $0x80000047;
	s4 =	sadd.s32 s5, s4;
	s5 =	ssub.s32 s3, s31  }
0x7: {  	s3 =	sadd.s32 $0x3000, s4;
	s4 =	sadd.s32 $0x2B000, s4;
	s5 =	smax.u32 s5, $0x1  }
.LBB2_1:
0x8: {  	[tilespmem:s2], [sflag:$0x1] =	stream.linear.gather [hbm4b:s3+s2], $0xA000, $0x38;
	[tilespmem:$0xA000] =	vst v63  }
0x9: {  	_ =	swait.ge [sflag:s6], $0xA000  }
0xa: {  	[sflag:s6] =	ssyncset.done $0x0  }
0xb: {  	s8 =	simm.s32 $0x0;
	[sflag:s6] =	ssyncadd.s32 $0xFFFF6000  }
0xc: {  	v6 =	vld [tilespmem:s8+$0x0]  }
0xd: {  	v5 =	vld [tilespmem:s8+$0x10]  }
0xe: {  	v4 =	vld [tilespmem:s8+$0x20]  }
0xf: {  	v3 =	vld [tilespmem:s8+$0x30]  }
0x10: {  	v2 =	vld [tilespmem:s8+$0x40]  }
0x11: {  	v1 =	vld [tilespmem:s8+$0x50];
	v7 =	vmul.f32 $1.442695020e+00, v6  }
0x12: {  	s9 =	simm.s32 $0x200;
	v0 =	vld [tilespmem:s8+$0x60];
	v8 =	vmul.f32 $1.442695020e+00, v5  }
.LBB2_2:
0x13: {  	p0 =	sne.s32 s9, $0x27E00;
	v9 =	vmul.f32 $1.442695020e+00, v4;
	v10 =	vld [tilespmem:s8+$0x70];
	(erf) = vpow2.f32 v7  }
0x14: {  	v7 =	vmul.f32 $1.442695020e+00, v3;
	(erf) = vpow2.f32 v8  }
0x15: {  	v8 =	vmul.f32 $1.442695020e+00, v2;
	(erf) = vpow2.f32 v9  }
0x16: {  	v9 =	vmul.f32 $1.442695020e+00, v1;
	(erf) = vpow2.f32 v7  }
0x17: {  	v7 =	vmul.f32 $1.442695020e+00, v0;
	(erf) = vpow2.f32 v8  }
0x18: {  	v8 =	vmul.f32 $1.442695020e+00, v10;
	(erf) = vpow2.f32 v9  }
0x19: {  	(erf) = vpow2.f32 v7  }
0x1a: {  	(erf) = vpow2.f32 v8;
	_ =	sdelay $0x1  }
0x1b: {  	v7 =	vpop (erf)  }
0x1c: {  	v7 =	vadd.f32 $-1.000000000e+00, v7;
	v8 =	vpop (erf)  }
0x1d: {  	vm0 =	vgt.f32 v6, $0.0e+00;
	v8 =	vadd.f32 $-1.000000000e+00, v8;
	v9 =	vpop (erf)  }
0x1e: {  	v6 =	vsel vm0, v6, v7;
	vm0 =	vgt.f32 v5, $0.0e+00;
	v7 =	vadd.f32 $-1.000000000e+00, v9;
	v9 =	vpop (erf)  }
0x1f: {  	s10 =	sshra.s32 s9, $0x2;
	[tilespmem:s8+$0x0] =	vst v6;
	v5 =	vsel vm0, v5, v8;
	vm0 =	vgt.f32 v4, $0.0e+00;
	v8 =	vadd.f32 $-1.000000000e+00, v9;
	v9 =	vpop (erf)  }
0x20: {  	v6 =	vld [tilespmem:s10+$0x0];
	[tilespmem:s8+$0x10] =	vst v5;
	v4 =	vsel vm0, v4, v7;
	vm0 =	vgt.f32 v3, $0.0e+00;
	v7 =	vadd.f32 $-1.000000000e+00, v9;
	v9 =	vpop (erf)  }
0x21: {  	v5 =	vld [tilespmem:s10+$0x10];
	[tilespmem:s8+$0x20] =	vst v4;
	v3 =	vsel vm0, v3, v8;
	vm0 =	vgt.f32 v2, $0.0e+00;
	v8 =	vadd.f32 $-1.000000000e+00, v9;
	v9 =	vpop (erf)  }
.Ltmp0:
0x22: {  	v4 =	vld [tilespmem:s10+$0x20];
	[tilespmem:s8+$0x30] =	vst v3;
	v2 =	vsel vm0, v2, v7;
	vm0 =	vgt.f32 v1, $0.0e+00;
	v7 =	vadd.f32 $-1.000000000e+00, v9;
	v9 =	vpop (erf);
	(pc) =	sbr.rel @p0 .LBB2_2-.Ltmp0, $4  }
0x23: {  	v3 =	vld [tilespmem:s10+$0x30];
	[tilespmem:s8+$0x40] =	vst v2;
	v1 =	vsel vm0, v1, v8;
	vm0 =	vgt.f32 v0, $0.0e+00;
	v8 =	vadd.f32 $-1.000000000e+00, v9  }
0x24: {  	v2 =	vld [tilespmem:s10+$0x40];
	[tilespmem:s8+$0x50] =	vst v1;
	v0 =	vsel vm0, v0, v7;
	vm0 =	vgt.f32 v10, $0.0e+00  }
0x25: {  	v7 =	vmul.f32 $1.442695020e+00, v6;
	v1 =	vld [tilespmem:s10+$0x50];
	[tilespmem:s8+$0x60] =	vst v0;
	v9 =	vsel vm0, v10, v8  }
0x26: {  	s9 =	sadd.s32 $0x200, s9;
	v8 =	vmul.f32 $1.442695020e+00, v5;
	v0 =	vld [tilespmem:s10+$0x60];
	[tilespmem:s8+$0x70] =	vst v9;
	s8 =	smov.u32 s10  }
0x27: {  	v9 =	vmul.f32 $1.442695020e+00, v4;
	v10 =	vld [tilespmem:s8+$0x70];
	(erf) = vpow2.f32 v7  }
0x28: {  	v44 =	vmul.f32 $1.442695020e+00, v3;
	(erf) = vpow2.f32 v8  }
0x29: {  	v45 =	vmul.f32 $1.442695020e+00, v2;
	(erf) = vpow2.f32 v9  }
0x2a: {  	v46 =	vmul.f32 $1.442695020e+00, v1;
	(erf) = vpow2.f32 v44  }
0x2b: {  	v47 =	vmul.f32 $1.442695020e+00, v0;
	(erf) = vpow2.f32 v45  }
0x2c: {  	v48 =	vmul.f32 $1.442695020e+00, v10;
	(erf) = vpow2.f32 v46  }
0x2d: {  	(erf) = vpow2.f32 v47  }
0x2e: {  	(erf) = vpow2.f32 v48;
	_ =	sdelay $0x1  }
0x2f: {  	v49 =	vpop (erf)  }
0x30: {  	v7 =	vadd.f32 $-1.000000000e+00, v49;
	v50 =	vpop (erf)  }
0x31: {  	vm0 =	vgt.f32 v6, $0.0e+00;
	v8 =	vadd.f32 $-1.000000000e+00, v50;
	v51 =	vpop (erf)  }
0x32: {  	vm9 =	vgt.f32 v5, $0.0e+00;
	v6 =	vsel vm0, v6, v7;
	v52 =	vadd.f32 $-1.000000000e+00, v51;
	v53 =	vpop (erf)  }
0x33: {  	vm10 =	vgt.f32 v4, $0.0e+00;
	[tilespmem:s8+$0x0] =	vst v6;
	v5 =	vsel vm9, v5, v8;
	v54 =	vadd.f32 $-1.000000000e+00, v53;
	v55 =	vpop (erf)  }
0x34: {  	vm11 =	vgt.f32 v3, $0.0e+00;
	[tilespmem:s8+$0x10] =	vst v5;
	v4 =	vsel vm10, v4, v52;
	v56 =	vadd.f32 $-1.000000000e+00, v55;
	v57 =	vpop (erf)  }
0x35: {  	vm12 =	vgt.f32 v2, $0.0e+00;
	[tilespmem:s8+$0x20] =	vst v4;
	v3 =	vsel vm11, v3, v54;
	v58 =	vadd.f32 $-1.000000000e+00, v57;
	v59 =	vpop (erf)  }
0x36: {  	vm13 =	vgt.f32 v1, $0.0e+00;
	[tilespmem:s8+$0x30] =	vst v3;
	v2 =	vsel vm12, v2, v56;
	v60 =	vadd.f32 $-1.000000000e+00, v59;
	v61 =	vpop (erf)  }
0x37: {  	vm14 =	vgt.f32 v0, $0.0e+00;
	[tilespmem:s8+$0x40] =	vst v2;
	v1 =	vsel vm13, v1, v58;
	v62 =	vadd.f32 $-1.000000000e+00, v61  }
0x38: {  	s7 =	sadd.s32 $0x1, s7;
	vm15 =	vgt.f32 v10, $0.0e+00;
	[tilespmem:s8+$0x50] =	vst v1;
	v0 =	vsel vm14, v0, v60  }
0x39: {  	p0 =	sne.s32 s7, s5;
	[tilespmem:s8+$0x60] =	vst v0;
	v63 =	vsel vm15, v10, v62  }
.Ltmp1:
0x3a: {  	[tilespmem:s8+$0x70] =	vst v63;
	(pc) =	sbr.rel @p0 .LBB2_1-.Ltmp1, $4  }
0x3b: {  	[hbm4b:s4+s2] =	stream.linear.scatter [tilespmem:s2], [sflag:$0x1], $0xA000, $0x38;
	[tilespmem:$0xA000] =	vst v63  }
0x3c: {  	_ =	swait.ge [sflag:s6], $0xA000  }
0x3d: {  	[sflag:s6] =	ssyncset.done $0x0  }
0x3e: {  	[sflag:s6] =	ssyncadd.s32 $0xFFFF6000  }
0x3f: {  	_ =	sfence.sel $0x180000  }
0x40: {  	[bflag:$0x0] =	sbarrier.arrive $0xFFFF  }
0x41: {  	p0 =	sne.s32 s0, $0x0;
	_ =	strace $0x90000047  }
0x42: {  	s0 =	sadd.s32 @!p0 $0x100000, s1;
	[bflag:$0x2] =	sbarrier.arrive $0xFFFF  }
0x43: {  	[sflag:s0] =	ssyncadd.tile.s32 @!p0 $0x1;
	_ =	shalt  }
.Lfunc_end2:
_tile_overlayer_lowered:
.L_overlay_start_2:
0x44: {  	(tag) =	ssettag $0x2  }
0x45: {  	s0 =	rddreg [dreg:$0x0];
	s2 =	stileid.u32  }
0x46: {  	s1 =	rddreg [dreg:$0x1];
	p0 =	sne.s32 s2, $0x0  }
0x47: {  	s3 =	rddreg [dreg:$0x2];
	[bflag:$0x3] =	sbarrier.arrive $0xFFFF;
	s2 =	simm.s32 @!p0 $0x1C01  }
0x48: {  	[timem:s3], [sflag:s2] =	dma.local @!p0 [hbm:s0], s1  }
0x49: {  	s0 =	simm.s32 @!p0 $0x1  }
0x4a: {  	_ =	swait.ge @!p0 [sflag:s0], s1  }
0x4b: {  	s1 =	ssub.s32 @!p0 $0x0, s1;
	[sflag:s0] =	ssyncset.done @!p0 $0x0  }
0x4c: {  	[sflag:s0] =	ssyncadd.s32 @!p0 s1  }
0x4d: {  	[bflag:$0x3] =	sbarrier.arrive $0xFFFF  }
0x4e: {  	_ =	shalt  }

</sc_bundles>
